<compile_context>
chip_gen: v7x
topology: tpu7x:2x2x1
jax: 0.10.2.dev20260603
libtpu: 0.0.44.dev20260713+nightly
codegen_flags: <defaults>
</compile_context>

<pallas_src>
import jax
import jax.numpy as jnp
from jax import lax
from jax.experimental import pallas as pl
from jax.experimental.pallas import tpu as pltpu
from jax.experimental.pallas import tpu_sc as plsc

N = 512
DH = 128
E = N * N
K_KEEP = max(1, int(0.1 * E))
INT_MIN = -(2 ** 31)
ROWS_PER_STEP = 8

SC_CORES = 2
SC_SUBCORES = 16
SC_WORKERS = SC_CORES * SC_SUBCORES
CHUNK = E // SC_WORKERS
IDX_BLK = 128
BLKS = CHUNK // IDX_BLK
FIRE = 16



def _round_bf16(x):
    bits = lax.bitcast_convert_type(x, jnp.int32)
    r = bits + jnp.int32(0x7FFF) + lax.shift_right_logical(bits, 16) % 2
    return lax.bitcast_convert_type(r & jnp.int32(-65536), jnp.float32)


def _dense_stage_body(a_ref, x_ref, w1_ref, whr_ref, wg_ref, wlb_ref,
                      h_ref, rank_ref, c_ref, y00_ref, z_ref):
    f32 = jnp.float32
    bf16 = jnp.bfloat16

    bb = jnp.dot(x_ref[...].astype(bf16), w1_ref[...].astype(bf16),
                 preferred_element_type=f32).astype(bf16)
    a_bf = a_ref[...].astype(bf16)
    hvt = jnp.maximum(
        lax.dot_general(bb, a_bf, (((0,), (1,)), ((), ())),
                        preferred_element_type=f32), 0.0)
    ht = _round_bf16(hvt)
    h_ref[...] = ht

    whr = whr_ref[...]
    colsum = jnp.dot(hvt, jnp.full((N, 1), 1.0, f32),
                     preferred_element_type=f32)
    hgb = _round_bf16(colsum * (1.0 / N))
    c = jnp.sum(hgb * wg_ref[...].reshape(DH, 1)) + wlb_ref[0, 0]
    c_ref[0, 0] = c
    s0 = jnp.sum(ht[:, 0:1] * whr.reshape(DH, 1))
    y00_ref[0, 0] = s0 + s0 + c

    mf = (a_ref[...] != 0.0).astype(f32)
    ir = lax.broadcasted_iota(jnp.int32, (N, N), 0)
    ic = lax.broadcasted_iota(jnp.int32, (N, N), 1)
    ut = (ir <= ic).astype(f32)
    sl = (ic < ir).astype(f32)
    rowcum = jnp.dot(mf, ut, preferred_element_type=f32)
    colpre = jnp.dot(sl, mf, preferred_element_type=f32)
    rowoff = jnp.sum(colpre, axis=1, keepdims=True)
    rank_ref[...] = (rowoff + rowcum - mf).astype(jnp.int32)
    z_ref[0, 0] = jnp.sum(mf).astype(jnp.int32)


def _score_rows_body(htfull_ref, whr_ref, y_ref):
    f32 = jnp.float32
    htfull = htfull_ref[...]
    whr = whr_ref[...]
    j0 = pl.program_id(0) * ROWS_PER_STEP
    ir = lax.broadcasted_iota(jnp.int32, (N, ROWS_PER_STEP), 0)
    ic = lax.broadcasted_iota(jnp.int32, (N, ROWS_PER_STEP), 1)
    onehot = (ir == j0 + ic).astype(f32)
    hcols = jnp.dot(htfull, onehot, preferred_element_type=f32)
    for jl in range(ROWS_PER_STEP):
        hsum_t = _round_bf16(hcols[:, jl:jl + 1] + htfull)
        y_ref[jl:jl + 1, :] = jnp.dot(whr, hsum_t,
                                      preferred_element_type=f32,
                                      precision=lax.Precision.HIGHEST)


def _select_stage_body(a_ref, y_ref, gal_ref, g2_ref,
                       c_ref, y00_ref, z_ref, out_ref):
    f32 = jnp.float32
    a = a_ref[...]
    mask = a != 0.0
    c = c_ref[0, 0]
    score = (y_ref[...] + c) + gal_ref[...]

    def orderable(x):
        bits = lax.bitcast_convert_type(x, jnp.int32)
        return jnp.where(bits >= 0, bits, bits ^ jnp.int32(0x7FFFFFFF))

    imin = jnp.int32(INT_MIN)
    su = jnp.where(mask, orderable(score), imin)

    ir = lax.broadcasted_iota(jnp.int32, (N, N), 0)
    ic = lax.broadcasted_iota(jnp.int32, (N, N), 1)
    eidx = ir * N + ic
    validph = eidx >= z_ref[0, 0]
    sph = jnp.where(validph, orderable(y00_ref[0, 0] + g2_ref[...]), imin)

    kk = jnp.int32(K_KEEP)

    def search_body(t, thr):
        bit = jnp.int32(31) - t
        cand = thr + lax.shift_left(jnp.int32(1), bit)
        cnt = (jnp.sum((su >= cand).astype(jnp.int32))
               + jnp.sum((sph >= cand).astype(jnp.int32)))
        return jnp.where(cnt >= kk, cand, thr)

    thr = lax.fori_loop(0, 32, search_body, imin)

    ph_gt = jnp.sum((sph > thr).astype(jnp.int32))
    c_gt = jnp.sum((su > thr).astype(jnp.int32)) + ph_gt
    need = (kk - c_gt).astype(f32)

    tie = mask & (su == thr)
    tf = tie.astype(f32)
    ut = (ir <= ic).astype(f32)
    sl = (ic < ir).astype(f32)
    trowcum = jnp.dot(tf, ut, preferred_element_type=f32)
    tcolpre = jnp.dot(sl, tf, preferred_element_type=f32)
    trank = jnp.sum(tcolpre, axis=1, keepdims=True) + trowcum - tf
    n_tie_real = jnp.sum(tf)
    sel_tie = tie & (trank < need)

    phantom_sel = (ph_gt > 0) | (need > n_tie_real)
    sel = mask & ((su > thr) | sel_tie)
    out = jnp.where(sel, a, 0.0)
    out_ref[...] = jnp.where((eidx == 0) & phantom_sel, a, out)


def _dense_stage(A, X, W1, whr, wg, wlb):
    f32 = jnp.float32
    smem11 = pl.BlockSpec(memory_space=pltpu.SMEM)
    return pl.pallas_call(
        _dense_stage_body,
        out_shape=[
            jax.ShapeDtypeStruct((DH, N), f32),
            jax.ShapeDtypeStruct((N, N), jnp.int32),
            jax.ShapeDtypeStruct((1, 1), f32),
            jax.ShapeDtypeStruct((1, 1), f32),
            jax.ShapeDtypeStruct((1, 1), jnp.int32),
        ],
        in_specs=[pl.BlockSpec(), pl.BlockSpec(), pl.BlockSpec(),
                  pl.BlockSpec(), pl.BlockSpec(), smem11],
        out_specs=[pl.BlockSpec(), pl.BlockSpec(),
                   smem11, smem11, smem11],
    )(A, X, W1, whr, wg, wlb)


def _score_rows(ht, whr):
    f32 = jnp.float32
    return pl.pallas_call(
        _score_rows_body,
        grid=(N // ROWS_PER_STEP,),
        out_shape=jax.ShapeDtypeStruct((N, N), f32),
        in_specs=[
            pl.BlockSpec((DH, N), lambda j: (0, 0)),
            pl.BlockSpec((1, DH), lambda j: (0, 0)),
        ],
        out_specs=pl.BlockSpec((ROWS_PER_STEP, N), lambda j: (j, 0)),
    )(ht, whr)


def _select_stage(A, y, gal, g2, c, y00, z):
    smem11 = pl.BlockSpec(memory_space=pltpu.SMEM)
    return pl.pallas_call(
        _select_stage_body,
        out_shape=jax.ShapeDtypeStruct((N, N), jnp.float32),
        in_specs=[pl.BlockSpec(), pl.BlockSpec(), pl.BlockSpec(),
                  pl.BlockSpec(), smem11, smem11, smem11],
        out_specs=pl.BlockSpec(),
    )(A, y, gal, g2, c, y00, z)


def _sc_gather_body(rank_hbm, g_hbm, out_hbm, idx_v, val_v, sem):
    wid = lax.axis_index("s") * SC_CORES + lax.axis_index("c")
    base = wid * CHUNK
    pltpu.sync_copy(rank_hbm.at[pl.ds(base, CHUNK)], idx_v)

    def outer(o, carry):
        copies = []
        for f in range(FIRE):
            j = o * FIRE + f
            cp = pltpu.make_async_copy(
                g_hbm.at[idx_v.at[pl.ds(j * IDX_BLK, IDX_BLK)]],
                val_v.at[pl.ds(j * IDX_BLK, IDX_BLK)],
                sem)
            cp.start()
            copies.append(cp)
        for cp in copies:
            cp.wait()
        return carry

    lax.fori_loop(0, BLKS // FIRE, outer, 0)
    pltpu.sync_copy(val_v, out_hbm.at[pl.ds(base, CHUNK)])


def _sc_gather(rank_flat, gflat):
    call = pl.kernel(
        _sc_gather_body,
        mesh=plsc.VectorSubcoreMesh(core_axis_name="c", subcore_axis_name="s"),
        out_type=jax.ShapeDtypeStruct((E,), jnp.float32),
        scratch_types=[
            pltpu.VMEM((CHUNK,), jnp.int32),
            pltpu.VMEM((CHUNK,), jnp.float32),
            pltpu.SemaphoreType.DMA,
        ],
    )
    return call(rank_flat, gflat)


def kernel(A, X, W1, W_mlp, b_mlp):
    f32 = jnp.float32
    gkey = jax.random.fold_in(jax.random.key(0), 7)
    u = jax.random.uniform(gkey, (E, 1), dtype=f32)
    g = -jnp.log(-jnp.log(u + 1e-08) + 1e-08)
    gflat = g[:, 0]

    whr = W_mlp[:DH].reshape(1, DH)
    wg = W_mlp[DH:2 * DH].reshape(1, DH)
    wlb = (W_mlp[2 * DH, 0] + b_mlp[0]).reshape(1, 1)

    gflat, A_b, X_b, W1_b = lax.optimization_barrier((gflat, A, X, W1))
    ht, rank, c, y00, z = _dense_stage(A_b, X_b, W1_b, whr, wg, wlb)
    y = _score_rows(ht, whr)
    y, rank = lax.optimization_barrier((y, rank))
    gal = _sc_gather(rank.reshape(E), gflat)
    y, gal, A_s = lax.optimization_barrier((y, gal, A))
    return _select_stage(A_s, y, gal.reshape(N, N),
                         gflat.reshape(N, N), c, y00, z)

# --- scband reference (transcript-rebuilt; emitter-appended) ---
"""Pipeline reference for scband-edge-sampling-head-35218731827670 (READ-ONLY COPY).

The authoritative reference and input builder live on the scoring server;
editing this copy changes nothing except your own understanding.
"""

import jax, jax.numpy as jnp
import numpy as np

K_RATIO = 0.1


def setup_inputs(seed: int = 0) -> dict:
    key = jax.random.key(seed)
    k1, k2, k3, k4, k5 = jax.random.split(key, 5)
    n, d_in, d_h = 512, 256, 128
    A = jax.random.uniform(k1, (n, n), dtype=jnp.float32)  # dense: every entry nonzero
    X = jax.random.normal(k2, (n, d_in), dtype=jnp.float32)
    W1 = jax.random.normal(k3, (d_in, d_h), dtype=jnp.float32) * 0.05
    W_mlp = jax.random.normal(k4, (2 * d_h + 1, 1), dtype=jnp.float32) * 0.05
    b_mlp = jax.random.normal(k5, (1,), dtype=jnp.float32) * 0.05
    return {"A": A, "X": X, "W1": W1, "W_mlp": W_mlp, "b_mlp": b_mlp}


def reference(A, X, W1, W_mlp, b_mlp):
    # gnn: H_v = relu(A @ X @ W1), h_G = mean-pool over nodes
    H_v = jax.nn.relu(A @ (X @ W1))                      # [n, d_h]
    h_G = jnp.mean(H_v, axis=0, keepdims=True)           # [1, d_h]
    # enumerate nonzero edges (vectorized equivalent of the n^2 python loop)
    ii, jj = jnp.nonzero(A, size=A.shape[0] * A.shape[1], fill_value=0)
    E = ii.shape[0]
    if E == 0:
        return jnp.zeros_like(A)
    # edge features: cat([H_v[i] + H_v[j], h_G, 1.0])
    C_e = jnp.concatenate([
        H_v[ii] + H_v[jj],
        jnp.broadcast_to(h_G, (E, h_G.shape[1])),
        jnp.ones((E, 1), dtype=A.dtype),
    ], axis=1)                                           # [E, 2*d_h+1]
    y = C_e @ W_mlp + b_mlp                              # [E, 1]
    num_keep = max(1, int(K_RATIO * E))
    # gumbel perturbation (fixed key stands in for torch.rand_like)
    gkey = jax.random.fold_in(jax.random.key(0), 7)
    u = jax.random.uniform(gkey, y.shape, dtype=y.dtype)
    g = -jnp.log(-jnp.log(u + 1e-08) + 1e-08)
    perturbed = (y + g).squeeze()                        # [E]
    _, topk_idx = jax.lax.top_k(perturbed, num_keep)
    sel_i = ii[topk_idx]
    sel_j = jj[topk_idx]
    A_aug = jnp.zeros_like(A).at[sel_i, sel_j].set(A[sel_i, sel_j])
    return A_aug

if __name__ == "__main__":
    import jax
    _d = setup_inputs()
    print(jax.jit(kernel)(*tuple(_d.values())))

</pallas_src>

<mosaic_0001>
#map = affine_map<(d0, d1) -> (0)>
module attributes {stable_mosaic.version = 14 : i64} {
  func.func @_sc_gather_body(%arg0: i32, %arg1: i32, %arg2: memref<262144xi32, #tpu.memory_space<hbm>>, %arg3: memref<262144xf32, #tpu.memory_space<hbm>>, %arg4: memref<262144xf32, #tpu.memory_space<hbm>>, %arg5: memref<8192xi32, #tpu.memory_space<vmem>>, %arg6: memref<8192xf32, #tpu.memory_space<vmem>>, %arg7: memref<!tpu.dma_semaphore, #tpu.memory_space<semaphore_mem>>) attributes {dimension_semantics = [#tpu.dimension_semantics<core_parallel>, #tpu.dimension_semantics<subcore_parallel>], iteration_bounds = array<i64: 2, 16>, scalar_prefetch = 0 : i64, scratch_operands = 3 : i64, tpu.core_type = #tpu.core_type<sc_vector_subcore>, window_params = [{transform_indices = #map}, {transform_indices = #map}, {transform_indices = #map}]} {
    %mul3A = arith.constant 2 : i32
    %mul3A_0 = arith.muli %arg1, %mul3A : i32
    %add3A = arith.addi %mul3A_0, %arg0 : i32
    %mul3A_1 = arith.constant 8192 : i32
    %mul3A_2 = arith.muli %add3A, %mul3A_1 : i32
    "tpu.region"() ({
      %run_scoped3A = tpu.sem_alloc : memref<!tpu.dma_semaphore, #tpu.memory_space<semaphore_mem>>
      %dma_start3A = tpu.memref_slice %arg2[%mul3A_2] : memref<262144xi32, #tpu.memory_space<hbm>> -> memref<8192xi32, #tpu.memory_space<hbm>>
      %dma_start3A_8 = tpu.memref_slice %arg2[%mul3A_2] : memref<262144xi32, #tpu.memory_space<hbm>> -> memref<8192xi32, #tpu.memory_space<hbm>>
      tpu.enqueue_dma source(%dma_start3A_8 : memref<8192xi32, #tpu.memory_space<hbm>>) target(%arg5 : memref<8192xi32, #tpu.memory_space<vmem>>) target_semaphore(%run_scoped3A : memref<!tpu.dma_semaphore, #tpu.memory_space<semaphore_mem>>)
      %dma_wait3A = tpu.memref_slice %arg2[%mul3A_2] : memref<262144xi32, #tpu.memory_space<hbm>> -> memref<8192xi32, #tpu.memory_space<hbm>>
      %dma_wait3A_9 = tpu.memref_slice %arg2[%mul3A_2] : memref<262144xi32, #tpu.memory_space<hbm>> -> memref<8192xi32, #tpu.memory_space<hbm>>
      tpu.wait_dma2 semaphore(%run_scoped3A : memref<!tpu.dma_semaphore, #tpu.memory_space<semaphore_mem>>) src(%dma_wait3A_9 : memref<8192xi32, #tpu.memory_space<hbm>>) dst(%arg5 : memref<8192xi32, #tpu.memory_space<vmem>>)
      tpu.yield
    }) : () -> ()
    %scan3A = arith.constant 0 : i32
    %scan3A_3 = arith.constant 0 : i32
    %scan3A_4 = arith.constant 4 : i32
    %scan3A_5 = arith.addi %scan3A_3, %scan3A_4 : i32
    %scan3A_6 = arith.constant 1 : i32
    scf.for %scan3A_8 = %scan3A_3 to %scan3A_5 step %scan3A_6  : i32 {
      %mul3A_9 = arith.constant 16 : i32
      %mul3A_10 = arith.muli %scan3A_8, %mul3A_9 : i32
      %add3A_11 = arith.constant 0 : i32
      %add3A_12 = arith.addi %mul3A_10, %add3A_11 : i32
      %mul3A_13 = arith.constant 128 : i32
      %mul3A_14 = arith.muli %add3A_12, %mul3A_13 : i32
      %mul3A_15 = arith.constant 128 : i32
      %mul3A_16 = arith.muli %add3A_12, %mul3A_15 : i32
      %dma_start3A = tpu.memref_slice %arg6[%mul3A_16] : memref<8192xf32, #tpu.memory_space<vmem>> -> memref<128xf32, #tpu.memory_space<vmem>>
      %dma_start3A_17 = tpu.memref_slice %arg5[%mul3A_14] : memref<8192xi32, #tpu.memory_space<vmem>> -> memref<128xi32, #tpu.memory_space<vmem>>
      %dma_start3A_18 = arith.constant 0 : i32
      %dma_start3A_19 = tpu.memref_slice %arg3[%dma_start3A_18] : memref<262144xf32, #tpu.memory_space<hbm>> -> memref<262144xf32, #tpu.memory_space<hbm>>
      tpu.enqueue_indirect_dma source(%dma_start3A_19 : memref<262144xf32, #tpu.memory_space<hbm>>) target(%dma_start3A : memref<128xf32, #tpu.memory_space<vmem>>) offsets(%dma_start3A_17 : memref<128xi32, #tpu.memory_space<vmem>>) semaphore(%arg7 : memref<!tpu.dma_semaphore, #tpu.memory_space<semaphore_mem>>)
      %mul3A_20 = arith.constant 16 : i32
      %mul3A_21 = arith.muli %scan3A_8, %mul3A_20 : i32
      %add3A_22 = arith.constant 1 : i32
      %add3A_23 = arith.addi %mul3A_21, %add3A_22 : i32
      %mul3A_24 = arith.constant 128 : i32
      %mul3A_25 = arith.muli %add3A_23, %mul3A_24 : i32
      %mul3A_26 = arith.constant 128 : i32
      %mul3A_27 = arith.muli %add3A_23, %mul3A_26 : i32
      %dma_start3A_28 = tpu.memref_slice %arg6[%mul3A_27] : memref<8192xf32, #tpu.memory_space<vmem>> -> memref<128xf32, #tpu.memory_space<vmem>>
      %dma_start3A_29 = tpu.memref_slice %arg5[%mul3A_25] : memref<8192xi32, #tpu.memory_space<vmem>> -> memref<128xi32, #tpu.memory_space<vmem>>
      %dma_start3A_30 = arith.constant 0 : i32
      %dma_start3A_31 = tpu.memref_slice %arg3[%dma_start3A_30] : memref<262144xf32, #tpu.memory_space<hbm>> -> memref<262144xf32, #tpu.memory_space<hbm>>
      tpu.enqueue_indirect_dma source(%dma_start3A_31 : memref<262144xf32, #tpu.memory_space<hbm>>) target(%dma_start3A_28 : memref<128xf32, #tpu.memory_space<vmem>>) offsets(%dma_start3A_29 : memref<128xi32, #tpu.memory_space<vmem>>) semaphore(%arg7 : memref<!tpu.dma_semaphore, #tpu.memory_space<semaphore_mem>>)
      %mul3A_32 = arith.constant 16 : i32
      %mul3A_33 = arith.muli %scan3A_8, %mul3A_32 : i32
      %add3A_34 = arith.constant 2 : i32
      %add3A_35 = arith.addi %mul3A_33, %add3A_34 : i32
      %mul3A_36 = arith.constant 128 : i32
      %mul3A_37 = arith.muli %add3A_35, %mul3A_36 : i32
      %mul3A_38 = arith.constant 128 : i32
      %mul3A_39 = arith.muli %add3A_35, %mul3A_38 : i32
      %dma_start3A_40 = tpu.memref_slice %arg6[%mul3A_39] : memref<8192xf32, #tpu.memory_space<vmem>> -> memref<128xf32, #tpu.memory_space<vmem>>
      %dma_start3A_41 = tpu.memref_slice %arg5[%mul3A_37] : memref<8192xi32, #tpu.memory_space<vmem>> -> memref<128xi32, #tpu.memory_space<vmem>>
      %dma_start3A_42 = arith.constant 0 : i32
      %dma_start3A_43 = tpu.memref_slice %arg3[%dma_start3A_42] : memref<262144xf32, #tpu.memory_space<hbm>> -> memref<262144xf32, #tpu.memory_space<hbm>>
      tpu.enqueue_indirect_dma source(%dma_start3A_43 : memref<262144xf32, #tpu.memory_space<hbm>>) target(%dma_start3A_40 : memref<128xf32, #tpu.memory_space<vmem>>) offsets(%dma_start3A_41 : memref<128xi32, #tpu.memory_space<vmem>>) semaphore(%arg7 : memref<!tpu.dma_semaphore, #tpu.memory_space<semaphore_mem>>)
      %mul3A_44 = arith.constant 16 : i32
      %mul3A_45 = arith.muli %scan3A_8, %mul3A_44 : i32
      %add3A_46 = arith.constant 3 : i32
      %add3A_47 = arith.addi %mul3A_45, %add3A_46 : i32
      %mul3A_48 = arith.constant 128 : i32
      %mul3A_49 = arith.muli %add3A_47, %mul3A_48 : i32
      %mul3A_50 = arith.constant 128 : i32
      %mul3A_51 = arith.muli %add3A_47, %mul3A_50 : i32
      %dma_start3A_52 = tpu.memref_slice %arg6[%mul3A_51] : memref<8192xf32, #tpu.memory_space<vmem>> -> memref<128xf32, #tpu.memory_space<vmem>>
      %dma_start3A_53 = tpu.memref_slice %arg5[%mul3A_49] : memref<8192xi32, #tpu.memory_space<vmem>> -> memref<128xi32, #tpu.memory_space<vmem>>
      %dma_start3A_54 = arith.constant 0 : i32
      %dma_start3A_55 = tpu.memref_slice %arg3[%dma_start3A_54] : memref<262144xf32, #tpu.memory_space<hbm>> -> memref<262144xf32, #tpu.memory_space<hbm>>
      tpu.enqueue_indirect_dma source(%dma_start3A_55 : memref<262144xf32, #tpu.memory_space<hbm>>) target(%dma_start3A_52 : memref<128xf32, #tpu.memory_space<vmem>>) offsets(%dma_start3A_53 : memref<128xi32, #tpu.memory_space<vmem>>) semaphore(%arg7 : memref<!tpu.dma_semaphore, #tpu.memory_space<semaphore_mem>>)
      %mul3A_56 = arith.constant 16 : i32
      %mul3A_57 = arith.muli %scan3A_8, %mul3A_56 : i32
      %add3A_58 = arith.constant 4 : i32
      %add3A_59 = arith.addi %mul3A_57, %add3A_58 : i32
      %mul3A_60 = arith.constant 128 : i32
      %mul3A_61 = arith.muli %add3A_59, %mul3A_60 : i32
      %mul3A_62 = arith.constant 128 : i32
      %mul3A_63 = arith.muli %add3A_59, %mul3A_62 : i32
      %dma_start3A_64 = tpu.memref_slice %arg6[%mul3A_63] : memref<8192xf32, #tpu.memory_space<vmem>> -> memref<128xf32, #tpu.memory_space<vmem>>
      %dma_start3A_65 = tpu.memref_slice %arg5[%mul3A_61] : memref<8192xi32, #tpu.memory_space<vmem>> -> memref<128xi32, #tpu.memory_space<vmem>>
      %dma_start3A_66 = arith.constant 0 : i32
      %dma_start3A_67 = tpu.memref_slice %arg3[%dma_start3A_66] : memref<262144xf32, #tpu.memory_space<hbm>> -> memref<262144xf32, #tpu.memory_space<hbm>>
      tpu.enqueue_indirect_dma source(%dma_start3A_67 : memref<262144xf32, #tpu.memory_space<hbm>>) target(%dma_start3A_64 : memref<128xf32, #tpu.memory_space<vmem>>) offsets(%dma_start3A_65 : memref<128xi32, #tpu.memory_space<vmem>>) semaphore(%arg7 : memref<!tpu.dma_semaphore, #tpu.memory_space<semaphore_mem>>)
      %mul3A_68 = arith.constant 16 : i32
      %mul3A_69 = arith.muli %scan3A_8, %mul3A_68 : i32
      %add3A_70 = arith.constant 5 : i32
      %add3A_71 = arith.addi %mul3A_69, %add3A_70 : i32
      %mul3A_72 = arith.constant 128 : i32
      %mul3A_73 = arith.muli %add3A_71, %mul3A_72 : i32
      %mul3A_74 = arith.constant 128 : i32
      %mul3A_75 = arith.muli %add3A_71, %mul3A_74 : i32
      %dma_start3A_76 = tpu.memref_slice %arg6[%mul3A_75] : memref<8192xf32, #tpu.memory_space<vmem>> -> memref<128xf32, #tpu.memory_space<vmem>>
      %dma_start3A_77 = tpu.memref_slice %arg5[%mul3A_73] : memref<8192xi32, #tpu.memory_space<vmem>> -> memref<128xi32, #tpu.memory_space<vmem>>
      %dma_start3A_78 = arith.constant 0 : i32
      %dma_start3A_79 = tpu.memref_slice %arg3[%dma_start3A_78] : memref<262144xf32, #tpu.memory_space<hbm>> -> memref<262144xf32, #tpu.memory_space<hbm>>
      tpu.enqueue_indirect_dma source(%dma_start3A_79 : memref<262144xf32, #tpu.memory_space<hbm>>) target(%dma_start3A_76 : memref<128xf32, #tpu.memory_space<vmem>>) offsets(%dma_start3A_77 : memref<128xi32, #tpu.memory_space<vmem>>) semaphore(%arg7 : memref<!tpu.dma_semaphore, #tpu.memory_space<semaphore_mem>>)
      %mul3A_80 = arith.constant 16 : i32
      %mul3A_81 = arith.muli %scan3A_8, %mul3A_80 : i32
      %add3A_82 = arith.constant 6 : i32
      %add3A_83 = arith.addi %mul3A_81, %add3A_82 : i32
      %mul3A_84 = arith.constant 128 : i32
      %mul3A_85 = arith.muli %add3A_83, %mul3A_84 : i32
      %mul3A_86 = arith.constant 128 : i32
      %mul3A_87 = arith.muli %add3A_83, %mul3A_86 : i32
      %dma_start3A_88 = tpu.memref_slice %arg6[%mul3A_87] : memref<8192xf32, #tpu.memory_space<vmem>> -> memref<128xf32, #tpu.memory_space<vmem>>
      %dma_start3A_89 = tpu.memref_slice %arg5[%mul3A_85] : memref<8192xi32, #tpu.memory_space<vmem>> -> memref<128xi32, #tpu.memory_space<vmem>>
      %dma_start3A_90 = arith.constant 0 : i32
      %dma_start3A_91 = tpu.memref_slice %arg3[%dma_start3A_90] : memref<262144xf32, #tpu.memory_space<hbm>> -> memref<262144xf32, #tpu.memory_space<hbm>>
      tpu.enqueue_indirect_dma source(%dma_start3A_91 : memref<262144xf32, #tpu.memory_space<hbm>>) target(%dma_start3A_88 : memref<128xf32, #tpu.memory_space<vmem>>) offsets(%dma_start3A_89 : memref<128xi32, #tpu.memory_space<vmem>>) semaphore(%arg7 : memref<!tpu.dma_semaphore, #tpu.memory_space<semaphore_mem>>)
      %mul3A_92 = arith.constant 16 : i32
      %mul3A_93 = arith.muli %scan3A_8, %mul3A_92 : i32
      %add3A_94 = arith.constant 7 : i32
      %add3A_95 = arith.addi %mul3A_93, %add3A_94 : i32
      %mul3A_96 = arith.constant 128 : i32
      %mul3A_97 = arith.muli %add3A_95, %mul3A_96 : i32
      %mul3A_98 = arith.constant 128 : i32
      %mul3A_99 = arith.muli %add3A_95, %mul3A_98 : i32
      %dma_start3A_100 = tpu.memref_slice %arg6[%mul3A_99] : memref<8192xf32, #tpu.memory_space<vmem>> -> memref<128xf32, #tpu.memory_space<vmem>>
      %dma_start3A_101 = tpu.memref_slice %arg5[%mul3A_97] : memref<8192xi32, #tpu.memory_space<vmem>> -> memref<128xi32, #tpu.memory_space<vmem>>
      %dma_start3A_102 = arith.constant 0 : i32
      %dma_start3A_103 = tpu.memref_slice %arg3[%dma_start3A_102] : memref<262144xf32, #tpu.memory_space<hbm>> -> memref<262144xf32, #tpu.memory_space<hbm>>
      tpu.enqueue_indirect_dma source(%dma_start3A_103 : memref<262144xf32, #tpu.memory_space<hbm>>) target(%dma_start3A_100 : memref<128xf32, #tpu.memory_space<vmem>>) offsets(%dma_start3A_101 : memref<128xi32, #tpu.memory_space<vmem>>) semaphore(%arg7 : memref<!tpu.dma_semaphore, #tpu.memory_space<semaphore_mem>>)
      %mul3A_104 = arith.constant 16 : i32
      %mul3A_105 = arith.muli %scan3A_8, %mul3A_104 : i32
      %add3A_106 = arith.constant 8 : i32
      %add3A_107 = arith.addi %mul3A_105, %add3A_106 : i32
      %mul3A_108 = arith.constant 128 : i32
      %mul3A_109 = arith.muli %add3A_107, %mul3A_108 : i32
      %mul3A_110 = arith.constant 128 : i32
      %mul3A_111 = arith.muli %add3A_107, %mul3A_110 : i32
      %dma_start3A_112 = tpu.memref_slice %arg6[%mul3A_111] : memref<8192xf32, #tpu.memory_space<vmem>> -> memref<128xf32, #tpu.memory_space<vmem>>
      %dma_start3A_113 = tpu.memref_slice %arg5[%mul3A_109] : memref<8192xi32, #tpu.memory_space<vmem>> -> memref<128xi32, #tpu.memory_space<vmem>>
      %dma_start3A_114 = arith.constant 0 : i32
      %dma_start3A_115 = tpu.memref_slice %arg3[%dma_start3A_114] : memref<262144xf32, #tpu.memory_space<hbm>> -> memref<262144xf32, #tpu.memory_space<hbm>>
      tpu.enqueue_indirect_dma source(%dma_start3A_115 : memref<262144xf32, #tpu.memory_space<hbm>>) target(%dma_start3A_112 : memref<128xf32, #tpu.memory_space<vmem>>) offsets(%dma_start3A_113 : memref<128xi32, #tpu.memory_space<vmem>>) semaphore(%arg7 : memref<!tpu.dma_semaphore, #tpu.memory_space<semaphore_mem>>)
      %mul3A_116 = arith.constant 16 : i32
      %mul3A_117 = arith.muli %scan3A_8, %mul3A_116 : i32
      %add3A_118 = arith.constant 9 : i32
      %add3A_119 = arith.addi %mul3A_117, %add3A_118 : i32
      %mul3A_120 = arith.constant 128 : i32
      %mul3A_121 = arith.muli %add3A_119, %mul3A_120 : i32
      %mul3A_122 = arith.constant 128 : i32
      %mul3A_123 = arith.muli %add3A_119, %mul3A_122 : i32
      %dma_start3A_124 = tpu.memref_slice %arg6[%mul3A_123] : memref<8192xf32, #tpu.memory_space<vmem>> -> memref<128xf32, #tpu.memory_space<vmem>>
      %dma_start3A_125 = tpu.memref_slice %arg5[%mul3A_121] : memref<8192xi32, #tpu.memory_space<vmem>> -> memref<128xi32, #tpu.memory_space<vmem>>
      %dma_start3A_126 = arith.constant 0 : i32
      %dma_start3A_127 = tpu.memref_slice %arg3[%dma_start3A_126] : memref<262144xf32, #tpu.memory_space<hbm>> -> memref<262144xf32, #tpu.memory_space<hbm>>
      tpu.enqueue_indirect_dma source(%dma_start3A_127 : memref<262144xf32, #tpu.memory_space<hbm>>) target(%dma_start3A_124 : memref<128xf32, #tpu.memory_space<vmem>>) offsets(%dma_start3A_125 : memref<128xi32, #tpu.memory_space<vmem>>) semaphore(%arg7 : memref<!tpu.dma_semaphore, #tpu.memory_space<semaphore_mem>>)
      %mul3A_128 = arith.constant 16 : i32
      %mul3A_129 = arith.muli %scan3A_8, %mul3A_128 : i32
      %add3A_130 = arith.constant 10 : i32
      %add3A_131 = arith.addi %mul3A_129, %add3A_130 : i32
      %mul3A_132 = arith.constant 128 : i32
      %mul3A_133 = arith.muli %add3A_131, %mul3A_132 : i32
      %mul3A_134 = arith.constant 128 : i32
      %mul3A_135 = arith.muli %add3A_131, %mul3A_134 : i32
      %dma_start3A_136 = tpu.memref_slice %arg6[%mul3A_135] : memref<8192xf32, #tpu.memory_space<vmem>> -> memref<128xf32, #tpu.memory_space<vmem>>
      %dma_start3A_137 = tpu.memref_slice %arg5[%mul3A_133] : memref<8192xi32, #tpu.memory_space<vmem>> -> memref<128xi32, #tpu.memory_space<vmem>>
      %dma_start3A_138 = arith.constant 0 : i32
      %dma_start3A_139 = tpu.memref_slice %arg3[%dma_start3A_138] : memref<262144xf32, #tpu.memory_space<hbm>> -> memref<262144xf32, #tpu.memory_space<hbm>>
      tpu.enqueue_indirect_dma source(%dma_start3A_139 : memref<262144xf32, #tpu.memory_space<hbm>>) target(%dma_start3A_136 : memref<128xf32, #tpu.memory_space<vmem>>) offsets(%dma_start3A_137 : memref<128xi32, #tpu.memory_space<vmem>>) semaphore(%arg7 : memref<!tpu.dma_semaphore, #tpu.memory_space<semaphore_mem>>)
      %mul3A_140 = arith.constant 16 : i32
      %mul3A_141 = arith.muli %scan3A_8, %mul3A_140 : i32
      %add3A_142 = arith.constant 11 : i32
      %add3A_143 = arith.addi %mul3A_141, %add3A_142 : i32
      %mul3A_144 = arith.constant 128 : i32
      %mul3A_145 = arith.muli %add3A_143, %mul3A_144 : i32
      %mul3A_146 = arith.constant 128 : i32
      %mul3A_147 = arith.muli %add3A_143, %mul3A_146 : i32
      %dma_start3A_148 = tpu.memref_slice %arg6[%mul3A_147] : memref<8192xf32, #tpu.memory_space<vmem>> -> memref<128xf32, #tpu.memory_space<vmem>>
      %dma_start3A_149 = tpu.memref_slice %arg5[%mul3A_145] : memref<8192xi32, #tpu.memory_space<vmem>> -> memref<128xi32, #tpu.memory_space<vmem>>
      %dma_start3A_150 = arith.constant 0 : i32
      %dma_start3A_151 = tpu.memref_slice %arg3[%dma_start3A_150] : memref<262144xf32, #tpu.memory_space<hbm>> -> memref<262144xf32, #tpu.memory_space<hbm>>
      tpu.enqueue_indirect_dma source(%dma_start3A_151 : memref<262144xf32, #tpu.memory_space<hbm>>) target(%dma_start3A_148 : memref<128xf32, #tpu.memory_space<vmem>>) offsets(%dma_start3A_149 : memref<128xi32, #tpu.memory_space<vmem>>) semaphore(%arg7 : memref<!tpu.dma_semaphore, #tpu.memory_space<semaphore_mem>>)
      %mul3A_152 = arith.constant 16 : i32
      %mul3A_153 = arith.muli %scan3A_8, %mul3A_152 : i32
      %add3A_154 = arith.constant 12 : i32
      %add3A_155 = arith.addi %mul3A_153, %add3A_154 : i32
      %mul3A_156 = arith.constant 128 : i32
      %mul3A_157 = arith.muli %add3A_155, %mul3A_156 : i32
      %mul3A_158 = arith.constant 128 : i32
      %mul3A_159 = arith.muli %add3A_155, %mul3A_158 : i32
      %dma_start3A_160 = tpu.memref_slice %arg6[%mul3A_159] : memref<8192xf32, #tpu.memory_space<vmem>> -> memref<128xf32, #tpu.memory_space<vmem>>
      %dma_start3A_161 = tpu.memref_slice %arg5[%mul3A_157] : memref<8192xi32, #tpu.memory_space<vmem>> -> memref<128xi32, #tpu.memory_space<vmem>>
      %dma_start3A_162 = arith.constant 0 : i32
      %dma_start3A_163 = tpu.memref_slice %arg3[%dma_start3A_162] : memref<262144xf32, #tpu.memory_space<hbm>> -> memref<262144xf32, #tpu.memory_space<hbm>>
      tpu.enqueue_indirect_dma source(%dma_start3A_163 : memref<262144xf32, #tpu.memory_space<hbm>>) target(%dma_start3A_160 : memref<128xf32, #tpu.memory_space<vmem>>) offsets(%dma_start3A_161 : memref<128xi32, #tpu.memory_space<vmem>>) semaphore(%arg7 : memref<!tpu.dma_semaphore, #tpu.memory_space<semaphore_mem>>)
      %mul3A_164 = arith.constant 16 : i32
      %mul3A_165 = arith.muli %scan3A_8, %mul3A_164 : i32
      %add3A_166 = arith.constant 13 : i32
      %add3A_167 = arith.addi %mul3A_165, %add3A_166 : i32
      %mul3A_168 = arith.constant 128 : i32
      %mul3A_169 = arith.muli %add3A_167, %mul3A_168 : i32
      %mul3A_170 = arith.constant 128 : i32
      %mul3A_171 = arith.muli %add3A_167, %mul3A_170 : i32
      %dma_start3A_172 = tpu.memref_slice %arg6[%mul3A_171] : memref<8192xf32, #tpu.memory_space<vmem>> -> memref<128xf32, #tpu.memory_space<vmem>>
      %dma_start3A_173 = tpu.memref_slice %arg5[%mul3A_169] : memref<8192xi32, #tpu.memory_space<vmem>> -> memref<128xi32, #tpu.memory_space<vmem>>
      %dma_start3A_174 = arith.constant 0 : i32
      %dma_start3A_175 = tpu.memref_slice %arg3[%dma_start3A_174] : memref<262144xf32, #tpu.memory_space<hbm>> -> memref<262144xf32, #tpu.memory_space<hbm>>
      tpu.enqueue_indirect_dma source(%dma_start3A_175 : memref<262144xf32, #tpu.memory_space<hbm>>) target(%dma_start3A_172 : memref<128xf32, #tpu.memory_space<vmem>>) offsets(%dma_start3A_173 : memref<128xi32, #tpu.memory_space<vmem>>) semaphore(%arg7 : memref<!tpu.dma_semaphore, #tpu.memory_space<semaphore_mem>>)
      %mul3A_176 = arith.constant 16 : i32
      %mul3A_177 = arith.muli %scan3A_8, %mul3A_176 : i32
      %add3A_178 = arith.constant 14 : i32
      %add3A_179 = arith.addi %mul3A_177, %add3A_178 : i32
      %mul3A_180 = arith.constant 128 : i32
      %mul3A_181 = arith.muli %add3A_179, %mul3A_180 : i32
      %mul3A_182 = arith.constant 128 : i32
      %mul3A_183 = arith.muli %add3A_179, %mul3A_182 : i32
      %dma_start3A_184 = tpu.memref_slice %arg6[%mul3A_183] : memref<8192xf32, #tpu.memory_space<vmem>> -> memref<128xf32, #tpu.memory_space<vmem>>
      %dma_start3A_185 = tpu.memref_slice %arg5[%mul3A_181] : memref<8192xi32, #tpu.memory_space<vmem>> -> memref<128xi32, #tpu.memory_space<vmem>>
      %dma_start3A_186 = arith.constant 0 : i32
      %dma_start3A_187 = tpu.memref_slice %arg3[%dma_start3A_186] : memref<262144xf32, #tpu.memory_space<hbm>> -> memref<262144xf32, #tpu.memory_space<hbm>>
      tpu.enqueue_indirect_dma source(%dma_start3A_187 : memref<262144xf32, #tpu.memory_space<hbm>>) target(%dma_start3A_184 : memref<128xf32, #tpu.memory_space<vmem>>) offsets(%dma_start3A_185 : memref<128xi32, #tpu.memory_space<vmem>>) semaphore(%arg7 : memref<!tpu.dma_semaphore, #tpu.memory_space<semaphore_mem>>)
      %mul3A_188 = arith.constant 16 : i32
      %mul3A_189 = arith.muli %scan3A_8, %mul3A_188 : i32
      %add3A_190 = arith.constant 15 : i32
      %add3A_191 = arith.addi %mul3A_189, %add3A_190 : i32
      %mul3A_192 = arith.constant 128 : i32
      %mul3A_193 = arith.muli %add3A_191, %mul3A_192 : i32
      %mul3A_194 = arith.constant 128 : i32
      %mul3A_195 = arith.muli %add3A_191, %mul3A_194 : i32
      %dma_start3A_196 = tpu.memref_slice %arg6[%mul3A_195] : memref<8192xf32, #tpu.memory_space<vmem>> -> memref<128xf32, #tpu.memory_space<vmem>>
      %dma_start3A_197 = tpu.memref_slice %arg5[%mul3A_193] : memref<8192xi32, #tpu.memory_space<vmem>> -> memref<128xi32, #tpu.memory_space<vmem>>
      %dma_start3A_198 = arith.constant 0 : i32
      %dma_start3A_199 = tpu.memref_slice %arg3[%dma_start3A_198] : memref<262144xf32, #tpu.memory_space<hbm>> -> memref<262144xf32, #tpu.memory_space<hbm>>
      tpu.enqueue_indirect_dma source(%dma_start3A_199 : memref<262144xf32, #tpu.memory_space<hbm>>) target(%dma_start3A_196 : memref<128xf32, #tpu.memory_space<vmem>>) offsets(%dma_start3A_197 : memref<128xi32, #tpu.memory_space<vmem>>) semaphore(%arg7 : memref<!tpu.dma_semaphore, #tpu.memory_space<semaphore_mem>>)
      %dma_wait3A = tpu.memref_slice %arg6[%mul3A_16] : memref<8192xf32, #tpu.memory_space<vmem>> -> memref<128xf32, #tpu.memory_space<vmem>>
      %dma_wait3A_200 = tpu.memref_slice %arg5[%mul3A_14] : memref<8192xi32, #tpu.memory_space<vmem>> -> memref<128xi32, #tpu.memory_space<vmem>>
      %dma_wait3A_201 = arith.constant 0 : i32
      %dma_wait3A_202 = tpu.memref_slice %arg3[%dma_wait3A_201] : memref<262144xf32, #tpu.memory_space<hbm>> -> memref<262144xf32, #tpu.memory_space<hbm>>
      tpu.wait_indirect_dma semaphore(%arg7 : memref<!tpu.dma_semaphore, #tpu.memory_space<semaphore_mem>>) src(%dma_wait3A_202 : memref<262144xf32, #tpu.memory_space<hbm>>) dst(%dma_wait3A : memref<128xf32, #tpu.memory_space<vmem>>)
      %dma_wait3A_203 = tpu.memref_slice %arg6[%mul3A_27] : memref<8192xf32, #tpu.memory_space<vmem>> -> memref<128xf32, #tpu.memory_space<vmem>>
      %dma_wait3A_204 = tpu.memref_slice %arg5[%mul3A_25] : memref<8192xi32, #tpu.memory_space<vmem>> -> memref<128xi32, #tpu.memory_space<vmem>>
      %dma_wait3A_205 = arith.constant 0 : i32
      %dma_wait3A_206 = tpu.memref_slice %arg3[%dma_wait3A_205] : memref<262144xf32, #tpu.memory_space<hbm>> -> memref<262144xf32, #tpu.memory_space<hbm>>
      tpu.wait_indirect_dma semaphore(%arg7 : memref<!tpu.dma_semaphore, #tpu.memory_space<semaphore_mem>>) src(%dma_wait3A_206 : memref<262144xf32, #tpu.memory_space<hbm>>) dst(%dma_wait3A_203 : memref<128xf32, #tpu.memory_space<vmem>>)
      %dma_wait3A_207 = tpu.memref_slice %arg6[%mul3A_39] : memref<8192xf32, #tpu.memory_space<vmem>> -> memref<128xf32, #tpu.memory_space<vmem>>
      %dma_wait3A_208 = tpu.memref_slice %arg5[%mul3A_37] : memref<8192xi32, #tpu.memory_space<vmem>> -> memref<128xi32, #tpu.memory_space<vmem>>
      %dma_wait3A_209 = arith.constant 0 : i32
      %dma_wait3A_210 = tpu.memref_slice %arg3[%dma_wait3A_209] : memref<262144xf32, #tpu.memory_space<hbm>> -> memref<262144xf32, #tpu.memory_space<hbm>>
      tpu.wait_indirect_dma semaphore(%arg7 : memref<!tpu.dma_semaphore, #tpu.memory_space<semaphore_mem>>) src(%dma_wait3A_210 : memref<262144xf32, #tpu.memory_space<hbm>>) dst(%dma_wait3A_207 : memref<128xf32, #tpu.memory_space<vmem>>)
      %dma_wait3A_211 = tpu.memref_slice %arg6[%mul3A_51] : memref<8192xf32, #tpu.memory_space<vmem>> -> memref<128xf32, #tpu.memory_space<vmem>>
      %dma_wait3A_212 = tpu.memref_slice %arg5[%mul3A_49] : memref<8192xi32, #tpu.memory_space<vmem>> -> memref<128xi32, #tpu.memory_space<vmem>>
      %dma_wait3A_213 = arith.constant 0 : i32
      %dma_wait3A_214 = tpu.memref_slice %arg3[%dma_wait3A_213] : memref<262144xf32, #tpu.memory_space<hbm>> -> memref<262144xf32, #tpu.memory_space<hbm>>
      tpu.wait_indirect_dma semaphore(%arg7 : memref<!tpu.dma_semaphore, #tpu.memory_space<semaphore_mem>>) src(%dma_wait3A_214 : memref<262144xf32, #tpu.memory_space<hbm>>) dst(%dma_wait3A_211 : memref<128xf32, #tpu.memory_space<vmem>>)
      %dma_wait3A_215 = tpu.memref_slice %arg6[%mul3A_63] : memref<8192xf32, #tpu.memory_space<vmem>> -> memref<128xf32, #tpu.memory_space<vmem>>
      %dma_wait3A_216 = tpu.memref_slice %arg5[%mul3A_61] : memref<8192xi32, #tpu.memory_space<vmem>> -> memref<128xi32, #tpu.memory_space<vmem>>
      %dma_wait3A_217 = arith.constant 0 : i32
      %dma_wait3A_218 = tpu.memref_slice %arg3[%dma_wait3A_217] : memref<262144xf32, #tpu.memory_space<hbm>> -> memref<262144xf32, #tpu.memory_space<hbm>>
      tpu.wait_indirect_dma semaphore(%arg7 : memref<!tpu.dma_semaphore, #tpu.memory_space<semaphore_mem>>) src(%dma_wait3A_218 : memref<262144xf32, #tpu.memory_space<hbm>>) dst(%dma_wait3A_215 : memref<128xf32, #tpu.memory_space<vmem>>)
      %dma_wait3A_219 = tpu.memref_slice %arg6[%mul3A_75] : memref<8192xf32, #tpu.memory_space<vmem>> -> memref<128xf32, #tpu.memory_space<vmem>>
      %dma_wait3A_220 = tpu.memref_slice %arg5[%mul3A_73] : memref<8192xi32, #tpu.memory_space<vmem>> -> memref<128xi32, #tpu.memory_space<vmem>>
      %dma_wait3A_221 = arith.constant 0 : i32
      %dma_wait3A_222 = tpu.memref_slice %arg3[%dma_wait3A_221] : memref<262144xf32, #tpu.memory_space<hbm>> -> memref<262144xf32, #tpu.memory_space<hbm>>
      tpu.wait_indirect_dma semaphore(%arg7 : memref<!tpu.dma_semaphore, #tpu.memory_space<semaphore_mem>>) src(%dma_wait3A_222 : memref<262144xf32, #tpu.memory_space<hbm>>) dst(%dma_wait3A_219 : memref<128xf32, #tpu.memory_space<vmem>>)
      %dma_wait3A_223 = tpu.memref_slice %arg6[%mul3A_87] : memref<8192xf32, #tpu.memory_space<vmem>> -> memref<128xf32, #tpu.memory_space<vmem>>
      %dma_wait3A_224 = tpu.memref_slice %arg5[%mul3A_85] : memref<8192xi32, #tpu.memory_space<vmem>> -> memref<128xi32, #tpu.memory_space<vmem>>
      %dma_wait3A_225 = arith.constant 0 : i32
      %dma_wait3A_226 = tpu.memref_slice %arg3[%dma_wait3A_225] : memref<262144xf32, #tpu.memory_space<hbm>> -> memref<262144xf32, #tpu.memory_space<hbm>>
      tpu.wait_indirect_dma semaphore(%arg7 : memref<!tpu.dma_semaphore, #tpu.memory_space<semaphore_mem>>) src(%dma_wait3A_226 : memref<262144xf32, #tpu.memory_space<hbm>>) dst(%dma_wait3A_223 : memref<128xf32, #tpu.memory_space<vmem>>)
      %dma_wait3A_227 = tpu.memref_slice %arg6[%mul3A_99] : memref<8192xf32, #tpu.memory_space<vmem>> -> memref<128xf32, #tpu.memory_space<vmem>>
      %dma_wait3A_228 = tpu.memref_slice %arg5[%mul3A_97] : memref<8192xi32, #tpu.memory_space<vmem>> -> memref<128xi32, #tpu.memory_space<vmem>>
      %dma_wait3A_229 = arith.constant 0 : i32
      %dma_wait3A_230 = tpu.memref_slice %arg3[%dma_wait3A_229] : memref<262144xf32, #tpu.memory_space<hbm>> -> memref<262144xf32, #tpu.memory_space<hbm>>
      tpu.wait_indirect_dma semaphore(%arg7 : memref<!tpu.dma_semaphore, #tpu.memory_space<semaphore_mem>>) src(%dma_wait3A_230 : memref<262144xf32, #tpu.memory_space<hbm>>) dst(%dma_wait3A_227 : memref<128xf32, #tpu.memory_space<vmem>>)
      %dma_wait3A_231 = tpu.memref_slice %arg6[%mul3A_111] : memref<8192xf32, #tpu.memory_space<vmem>> -> memref<128xf32, #tpu.memory_space<vmem>>
      %dma_wait3A_232 = tpu.memref_slice %arg5[%mul3A_109] : memref<8192xi32, #tpu.memory_space<vmem>> -> memref<128xi32, #tpu.memory_space<vmem>>
      %dma_wait3A_233 = arith.constant 0 : i32
      %dma_wait3A_234 = tpu.memref_slice %arg3[%dma_wait3A_233] : memref<262144xf32, #tpu.memory_space<hbm>> -> memref<262144xf32, #tpu.memory_space<hbm>>
      tpu.wait_indirect_dma semaphore(%arg7 : memref<!tpu.dma_semaphore, #tpu.memory_space<semaphore_mem>>) src(%dma_wait3A_234 : memref<262144xf32, #tpu.memory_space<hbm>>) dst(%dma_wait3A_231 : memref<128xf32, #tpu.memory_space<vmem>>)
      %dma_wait3A_235 = tpu.memref_slice %arg6[%mul3A_123] : memref<8192xf32, #tpu.memory_space<vmem>> -> memref<128xf32, #tpu.memory_space<vmem>>
      %dma_wait3A_236 = tpu.memref_slice %arg5[%mul3A_121] : memref<8192xi32, #tpu.memory_space<vmem>> -> memref<128xi32, #tpu.memory_space<vmem>>
      %dma_wait3A_237 = arith.constant 0 : i32
      %dma_wait3A_238 = tpu.memref_slice %arg3[%dma_wait3A_237] : memref<262144xf32, #tpu.memory_space<hbm>> -> memref<262144xf32, #tpu.memory_space<hbm>>
      tpu.wait_indirect_dma semaphore(%arg7 : memref<!tpu.dma_semaphore, #tpu.memory_space<semaphore_mem>>) src(%dma_wait3A_238 : memref<262144xf32, #tpu.memory_space<hbm>>) dst(%dma_wait3A_235 : memref<128xf32, #tpu.memory_space<vmem>>)
      %dma_wait3A_239 = tpu.memref_slice %arg6[%mul3A_135] : memref<8192xf32, #tpu.memory_space<vmem>> -> memref<128xf32, #tpu.memory_space<vmem>>
      %dma_wait3A_240 = tpu.memref_slice %arg5[%mul3A_133] : memref<8192xi32, #tpu.memory_space<vmem>> -> memref<128xi32, #tpu.memory_space<vmem>>
      %dma_wait3A_241 = arith.constant 0 : i32
      %dma_wait3A_242 = tpu.memref_slice %arg3[%dma_wait3A_241] : memref<262144xf32, #tpu.memory_space<hbm>> -> memref<262144xf32, #tpu.memory_space<hbm>>
      tpu.wait_indirect_dma semaphore(%arg7 : memref<!tpu.dma_semaphore, #tpu.memory_space<semaphore_mem>>) src(%dma_wait3A_242 : memref<262144xf32, #tpu.memory_space<hbm>>) dst(%dma_wait3A_239 : memref<128xf32, #tpu.memory_space<vmem>>)
      %dma_wait3A_243 = tpu.memref_slice %arg6[%mul3A_147] : memref<8192xf32, #tpu.memory_space<vmem>> -> memref<128xf32, #tpu.memory_space<vmem>>
      %dma_wait3A_244 = tpu.memref_slice %arg5[%mul3A_145] : memref<8192xi32, #tpu.memory_space<vmem>> -> memref<128xi32, #tpu.memory_space<vmem>>
      %dma_wait3A_245 = arith.constant 0 : i32
      %dma_wait3A_246 = tpu.memref_slice %arg3[%dma_wait3A_245] : memref<262144xf32, #tpu.memory_space<hbm>> -> memref<262144xf32, #tpu.memory_space<hbm>>
      tpu.wait_indirect_dma semaphore(%arg7 : memref<!tpu.dma_semaphore, #tpu.memory_space<semaphore_mem>>) src(%dma_wait3A_246 : memref<262144xf32, #tpu.memory_space<hbm>>) dst(%dma_wait3A_243 : memref<128xf32, #tpu.memory_space<vmem>>)
      %dma_wait3A_247 = tpu.memref_slice %arg6[%mul3A_159] : memref<8192xf32, #tpu.memory_space<vmem>> -> memref<128xf32, #tpu.memory_space<vmem>>
      %dma_wait3A_248 = tpu.memref_slice %arg5[%mul3A_157] : memref<8192xi32, #tpu.memory_space<vmem>> -> memref<128xi32, #tpu.memory_space<vmem>>
      %dma_wait3A_249 = arith.constant 0 : i32
      %dma_wait3A_250 = tpu.memref_slice %arg3[%dma_wait3A_249] : memref<262144xf32, #tpu.memory_space<hbm>> -> memref<262144xf32, #tpu.memory_space<hbm>>
      tpu.wait_indirect_dma semaphore(%arg7 : memref<!tpu.dma_semaphore, #tpu.memory_space<semaphore_mem>>) src(%dma_wait3A_250 : memref<262144xf32, #tpu.memory_space<hbm>>) dst(%dma_wait3A_247 : memref<128xf32, #tpu.memory_space<vmem>>)
      %dma_wait3A_251 = tpu.memref_slice %arg6[%mul3A_171] : memref<8192xf32, #tpu.memory_space<vmem>> -> memref<128xf32, #tpu.memory_space<vmem>>
      %dma_wait3A_252 = tpu.memref_slice %arg5[%mul3A_169] : memref<8192xi32, #tpu.memory_space<vmem>> -> memref<128xi32, #tpu.memory_space<vmem>>
      %dma_wait3A_253 = arith.constant 0 : i32
      %dma_wait3A_254 = tpu.memref_slice %arg3[%dma_wait3A_253] : memref<262144xf32, #tpu.memory_space<hbm>> -> memref<262144xf32, #tpu.memory_space<hbm>>
      tpu.wait_indirect_dma semaphore(%arg7 : memref<!tpu.dma_semaphore, #tpu.memory_space<semaphore_mem>>) src(%dma_wait3A_254 : memref<262144xf32, #tpu.memory_space<hbm>>) dst(%dma_wait3A_251 : memref<128xf32, #tpu.memory_space<vmem>>)
      %dma_wait3A_255 = tpu.memref_slice %arg6[%mul3A_183] : memref<8192xf32, #tpu.memory_space<vmem>> -> memref<128xf32, #tpu.memory_space<vmem>>
      %dma_wait3A_256 = tpu.memref_slice %arg5[%mul3A_181] : memref<8192xi32, #tpu.memory_space<vmem>> -> memref<128xi32, #tpu.memory_space<vmem>>
      %dma_wait3A_257 = arith.constant 0 : i32
      %dma_wait3A_258 = tpu.memref_slice %arg3[%dma_wait3A_257] : memref<262144xf32, #tpu.memory_space<hbm>> -> memref<262144xf32, #tpu.memory_space<hbm>>
      tpu.wait_indirect_dma semaphore(%arg7 : memref<!tpu.dma_semaphore, #tpu.memory_space<semaphore_mem>>) src(%dma_wait3A_258 : memref<262144xf32, #tpu.memory_space<hbm>>) dst(%dma_wait3A_255 : memref<128xf32, #tpu.memory_space<vmem>>)
      %dma_wait3A_259 = tpu.memref_slice %arg6[%mul3A_195] : memref<8192xf32, #tpu.memory_space<vmem>> -> memref<128xf32, #tpu.memory_space<vmem>>
      %dma_wait3A_260 = tpu.memref_slice %arg5[%mul3A_193] : memref<8192xi32, #tpu.memory_space<vmem>> -> memref<128xi32, #tpu.memory_space<vmem>>
      %dma_wait3A_261 = arith.constant 0 : i32
      %dma_wait3A_262 = tpu.memref_slice %arg3[%dma_wait3A_261] : memref<262144xf32, #tpu.memory_space<hbm>> -> memref<262144xf32, #tpu.memory_space<hbm>>
      tpu.wait_indirect_dma semaphore(%arg7 : memref<!tpu.dma_semaphore, #tpu.memory_space<semaphore_mem>>) src(%dma_wait3A_262 : memref<262144xf32, #tpu.memory_space<hbm>>) dst(%dma_wait3A_259 : memref<128xf32, #tpu.memory_space<vmem>>)
    }
    %scan3A_7 = arith.constant 4 : i32
    "tpu.region"() ({
      %run_scoped3A = tpu.sem_alloc : memref<!tpu.dma_semaphore, #tpu.memory_space<semaphore_mem>>
      %dma_start3A = tpu.memref_slice %arg4[%mul3A_2] : memref<262144xf32, #tpu.memory_space<hbm>> -> memref<8192xf32, #tpu.memory_space<hbm>>
      %dma_start3A_8 = tpu.memref_slice %arg4[%mul3A_2] : memref<262144xf32, #tpu.memory_space<hbm>> -> memref<8192xf32, #tpu.memory_space<hbm>>
      tpu.enqueue_dma source(%arg6 : memref<8192xf32, #tpu.memory_space<vmem>>) target(%dma_start3A_8 : memref<8192xf32, #tpu.memory_space<hbm>>) target_semaphore(%run_scoped3A : memref<!tpu.dma_semaphore, #tpu.memory_space<semaphore_mem>>)
      %dma_wait3A = tpu.memref_slice %arg4[%mul3A_2] : memref<262144xf32, #tpu.memory_space<hbm>> -> memref<8192xf32, #tpu.memory_space<hbm>>
      %dma_wait3A_9 = tpu.memref_slice %arg4[%mul3A_2] : memref<262144xf32, #tpu.memory_space<hbm>> -> memref<8192xf32, #tpu.memory_space<hbm>>
      tpu.wait_dma2 semaphore(%run_scoped3A : memref<!tpu.dma_semaphore, #tpu.memory_space<semaphore_mem>>) src(%arg6 : memref<8192xf32, #tpu.memory_space<vmem>>) dst(%dma_wait3A_9 : memref<8192xf32, #tpu.memory_space<hbm>>)
      tpu.yield
    }) : () -> ()
    return
  }
}

module attributes {stable_mosaic.version = 14 : i64} {
  func.func @_dense_stage_body(%arg0: memref<512x512xf32, #tpu.memory_space<vmem>>, %arg1: memref<512x256xf32, #tpu.memory_space<vmem>>, %arg2: memref<256x128xf32, #tpu.memory_space<vmem>>, %arg3: memref<1x128xf32, #tpu.memory_space<vmem>>, %arg4: memref<1x128xf32, #tpu.memory_space<vmem>>, %arg5: memref<1x1xf32, #tpu.memory_space<smem>>, %arg6: memref<128x512xf32, #tpu.memory_space<vmem>>, %arg7: memref<512x512xi32, #tpu.memory_space<vmem>>, %arg8: memref<1x1xf32, #tpu.memory_space<smem>>, %arg9: memref<1x1xf32, #tpu.memory_space<smem>>, %arg10: memref<1x1xi32, #tpu.memory_space<smem>>) attributes {dimension_semantics = [], scalar_prefetch = 0 : i64, scratch_operands = 0 : i64, tpu.core_type = #tpu.core_type<tc>} {
    %get3A = arith.constant 0 : index
    %get3A_0 = arith.constant 0 : index
    %get3A_1 = vector.load %arg1[%get3A, %get3A_0] : memref<512x256xf32, #tpu.memory_space<vmem>>, vector<512x256xf32>
    %convert_element_type3A = arith.truncf %get3A_1 : vector<512x256xf32> to vector<512x256xbf16>
    %get3A_2 = arith.constant 0 : index
    %get3A_3 = arith.constant 0 : index
    %get3A_4 = vector.load %arg2[%get3A_2, %get3A_3] : memref<256x128xf32, #tpu.memory_space<vmem>>, vector<256x128xf32>
    %convert_element_type3A_5 = arith.truncf %get3A_4 : vector<256x128xf32> to vector<256x128xbf16>
    %dot_general3A = arith.constant dense<0.000000e+00> : vector<512x128xf32>
    %dot_general3A_6 = tpu.matmul %convert_element_type3A, %convert_element_type3A_5, %dot_general3A {dimension_numbers = #tpu.dot_dimension_numbers<[1], [0], [0], [1], [0, 0, 1, 1], [], []>, transpose_lhs_hint = false} : vector<512x256xbf16>, vector<256x128xbf16>, vector<512x128xf32> -> vector<512x128xf32>
    %convert_element_type3A_7 = arith.truncf %dot_general3A_6 : vector<512x128xf32> to vector<512x128xbf16>
    %get3A_8 = arith.constant 0 : index
    %get3A_9 = arith.constant 0 : index
    %get3A_10 = vector.load %arg0[%get3A_8, %get3A_9] : memref<512x512xf32, #tpu.memory_space<vmem>>, vector<512x512xf32>
    %convert_element_type3A_11 = arith.truncf %get3A_10 : vector<512x512xf32> to vector<512x512xbf16>
    %dot_general3A_12 = arith.constant dense<0.000000e+00> : vector<128x512xf32>
    %dot_general3A_13 = tpu.matmul %convert_element_type3A_7, %convert_element_type3A_11, %dot_general3A_12 {dimension_numbers = #tpu.dot_dimension_numbers<[0], [1], [1], [0], [0, 1, 1, 0], [], []>, transpose_lhs_hint = false} : vector<512x128xbf16>, vector<512x512xbf16>, vector<128x512xf32> -> vector<128x512xf32>
    %max3A = arith.constant 0.000000e+00 : f32
    %max3A_14 = vector.broadcast %max3A : f32 to vector<128x512xf32>
    %max3A_15 = arith.maximumf %dot_general3A_13, %max3A_14 : vector<128x512xf32>
    %bitcast_convert_type3A = tpu.bitcast %max3A_15 : vector<128x512xf32> -> vector<128x512xi32>
    %add3A = arith.constant 32767 : i32
    %add3A_16 = vector.broadcast %add3A : i32 to vector<128x512xi32>
    %add3A_17 = arith.addi %bitcast_convert_type3A, %add3A_16 : vector<128x512xi32>
    %shift_right_logical3A = arith.constant 16 : i32
    %shift_right_logical3A_18 = vector.broadcast %shift_right_logical3A : i32 to vector<128x512xi32>
    %shift_right_logical3A_19 = arith.shrui %bitcast_convert_type3A, %shift_right_logical3A_18 : vector<128x512xi32>
    %jit3A = arith.constant 2 : i32
    %eq3A = arith.constant 0 : i32
    %eq3A_20 = arith.cmpi eq, %jit3A, %eq3A : i32
    %jit3A_21 = arith.constant 1 : i32
    %select_n3A = arith.select %eq3A_20, %jit3A_21, %jit3A : i32
    %rem3A = vector.broadcast %select_n3A : i32 to vector<128x512xi32>
    %rem3A_22 = arith.remsi %shift_right_logical3A_19, %rem3A : vector<128x512xi32>
    %ne3A = arith.constant 0 : i32
    %ne3A_23 = vector.broadcast %ne3A : i32 to vector<128x512xi32>
    %ne3A_24 = arith.cmpi ne, %rem3A_22, %ne3A_23 : vector<128x512xi32>
    %lt3A = arith.constant 0 : i32
    %lt3A_25 = vector.broadcast %lt3A : i32 to vector<128x512xi32>
    %lt3A_26 = arith.cmpi slt, %rem3A_22, %lt3A_25 : vector<128x512xi32>
    %lt3A_27 = arith.constant 0 : i32
    %lt3A_28 = arith.cmpi slt, %select_n3A, %lt3A_27 : i32
    %ne3A_29 = vector.broadcast %lt3A_28 : i1 to vector<128x512xi1>
    %ne3A_30 = vector.broadcast %ne3A_29 : vector<128x512xi1> to vector<128x512xi1>
    %ne3A_31 = arith.xori %lt3A_26, %ne3A_30 : vector<128x512xi1>
    %and3A = arith.andi %ne3A_31, %ne3A_24 : vector<128x512xi1>
    %add3A_32 = vector.broadcast %select_n3A : i32 to vector<128x512xi32>
    %add3A_33 = arith.addi %rem3A_22, %add3A_32 : vector<128x512xi32>
    %select_n3A_34 = arith.select %and3A, %add3A_33, %rem3A_22 : vector<128x512xi1>, vector<128x512xi32>
    %add3A_35 = arith.addi %add3A_17, %select_n3A_34 : vector<128x512xi32>
    %and3A_36 = arith.constant -65536 : i32
    %and3A_37 = vector.broadcast %and3A_36 : i32 to vector<128x512xi32>
    %and3A_38 = arith.andi %add3A_35, %and3A_37 : vector<128x512xi32>
    %bitcast_convert_type3A_39 = tpu.bitcast %and3A_38 : vector<128x512xi32> -> vector<128x512xf32>
    %swap3A = arith.constant 0 : index
    %swap3A_40 = arith.constant 0 : index
    %swap3A_41 = vector.load %arg6[%swap3A, %swap3A_40] : memref<128x512xf32, #tpu.memory_space<vmem>>, vector<128x512xf32>
    tpu.vector_store %arg6[%swap3A, %swap3A_40], %bitcast_convert_type3A_39 {strides = array<i32>} : memref<128x512xf32, #tpu.memory_space<vmem>>, vector<128x512xf32>,
    %get3A_42 = arith.constant 0 : index
    %get3A_43 = arith.constant 0 : index
    %get3A_44 = vector.load %arg3[%get3A_42, %get3A_43] : memref<1x128xf32, #tpu.memory_space<vmem>>, vector<1x128xf32>
    %broadcast_in_dim3A = arith.constant 1.000000e+00 : f32
    %broadcast_in_dim3A_45 = vector.broadcast %broadcast_in_dim3A : f32 to vector<512x1xf32>
    %dot_general3A_46 = arith.constant dense<0.000000e+00> : vector<128x1xf32>
    %dot_general3A_47 = tpu.matmul %max3A_15, %broadcast_in_dim3A_45, %dot_general3A_46 {dimension_numbers = #tpu.dot_dimension_numbers<[1], [0], [0], [1], [0, 0, 1, 1], [], []>, transpose_lhs_hint = false} : vector<128x512xf32>, vector<512x1xf32>, vector<128x1xf32> -> vector<128x1xf32>
    %mul3A = arith.constant 0.001953125 : f32
    %mul3A_48 = vector.broadcast %mul3A : f32 to vector<128x1xf32>
    %mul3A_49 = arith.mulf %dot_general3A_47, %mul3A_48 : vector<128x1xf32>
    %bitcast_convert_type3A_50 = tpu.bitcast %mul3A_49 : vector<128x1xf32> -> vector<128x1xi32>
    %add3A_51 = arith.constant 32767 : i32
    %add3A_52 = vector.broadcast %add3A_51 : i32 to vector<128x1xi32>
    %add3A_53 = arith.addi %bitcast_convert_type3A_50, %add3A_52 : vector<128x1xi32>
    %shift_right_logical3A_54 = arith.constant 16 : i32
    %shift_right_logical3A_55 = vector.broadcast %shift_right_logical3A_54 : i32 to vector<128x1xi32>
    %shift_right_logical3A_56 = arith.shrui %bitcast_convert_type3A_50, %shift_right_logical3A_55 : vector<128x1xi32>
    %jit3A_57 = arith.constant 2 : i32
    %eq3A_58 = arith.constant 0 : i32
    %eq3A_59 = arith.cmpi eq, %jit3A_57, %eq3A_58 : i32
    %jit3A_60 = arith.constant 1 : i32
    %select_n3A_61 = arith.select %eq3A_59, %jit3A_60, %jit3A_57 : i32
    %rem3A_62 = vector.broadcast %select_n3A_61 : i32 to vector<128x1xi32>
    %rem3A_63 = arith.remsi %shift_right_logical3A_56, %rem3A_62 : vector<128x1xi32>
    %ne3A_64 = arith.constant 0 : i32
    %ne3A_65 = vector.broadcast %ne3A_64 : i32 to vector<128x1xi32>
    %ne3A_66 = arith.cmpi ne, %rem3A_63, %ne3A_65 : vector<128x1xi32>
    %lt3A_67 = arith.constant 0 : i32
    %lt3A_68 = vector.broadcast %lt3A_67 : i32 to vector<128x1xi32>
    %lt3A_69 = arith.cmpi slt, %rem3A_63, %lt3A_68 : vector<128x1xi32>
    %lt3A_70 = arith.constant 0 : i32
    %lt3A_71 = arith.cmpi slt, %select_n3A_61, %lt3A_70 : i32
    %ne3A_72 = vector.broadcast %lt3A_71 : i1 to vector<128x1xi1>
    %ne3A_73 = vector.broadcast %ne3A_72 : vector<128x1xi1> to vector<128x1xi1>
    %ne3A_74 = arith.xori %lt3A_69, %ne3A_73 : vector<128x1xi1>
    %and3A_75 = arith.andi %ne3A_74, %ne3A_66 : vector<128x1xi1>
    %add3A_76 = vector.broadcast %select_n3A_61 : i32 to vector<128x1xi32>
    %add3A_77 = arith.addi %rem3A_63, %add3A_76 : vector<128x1xi32>
    %select_n3A_78 = arith.select %and3A_75, %add3A_77, %rem3A_63 : vector<128x1xi1>, vector<128x1xi32>
    %add3A_79 = arith.addi %add3A_53, %select_n3A_78 : vector<128x1xi32>
    %and3A_80 = arith.constant -65536 : i32
    %and3A_81 = vector.broadcast %and3A_80 : i32 to vector<128x1xi32>
    %and3A_82 = arith.andi %add3A_79, %and3A_81 : vector<128x1xi32>
    %bitcast_convert_type3A_83 = tpu.bitcast %and3A_82 : vector<128x1xi32> -> vector<128x1xf32>
    %get3A_84 = arith.constant 0 : index
    %get3A_85 = arith.constant 0 : index
    %get3A_86 = vector.load %arg4[%get3A_84, %get3A_85] : memref<1x128xf32, #tpu.memory_space<vmem>>, vector<1x128xf32>
    %reshape3A = vector.shape_cast %get3A_86 : vector<1x128xf32> to vector<128x1xf32>
    %mul3A_87 = arith.mulf %bitcast_convert_type3A_83, %reshape3A : vector<128x1xf32>
    %reduce_sum3A = vector.shape_cast %mul3A_87 : vector<128x1xf32> to vector<1x128x1xf32>
    %reduce_sum3A_88 = arith.constant dense<0.000000e+00> : vector<1xf32>
    %reduce_sum3A_89 = vector.multi_reduction <add>, %reduce_sum3A, %reduce_sum3A_88 [1, 2] : vector<1x128x1xf32> to vector<1xf32>
    %reduce_sum3A_90 = vector.shape_cast %reduce_sum3A_89 : vector<1xf32> to vector<1x1x1xf32>
    %reduce_sum3A_91 = vector.extract %reduce_sum3A_90[0, 0, 0] : f32 from vector<1x1x1xf32>
    %get3A_92 = arith.constant 0 : index
    %get3A_93 = arith.constant 0 : index
    %get3A_94 = memref.load %arg5[%get3A_92, %get3A_93] : memref<1x1xf32, #tpu.memory_space<smem>>
    %add3A_95 = arith.addf %reduce_sum3A_91, %get3A_94 : f32
    %swap3A_96 = arith.constant 0 : index
    %swap3A_97 = arith.constant 0 : index
    %swap3A_98 = memref.load %arg8[%swap3A_96, %swap3A_97] : memref<1x1xf32, #tpu.memory_space<smem>>
    memref.store %add3A_95, %arg8[%swap3A_96, %swap3A_97] : memref<1x1xf32, #tpu.memory_space<smem>>
    %slice3A = vector.extract_strided_slice %bitcast_convert_type3A_39 {offsets = [0, 0], sizes = [128, 1], strides = [1, 1]} : vector<128x512xf32> to vector<128x1xf32>
    %reshape3A_99 = vector.shape_cast %get3A_44 : vector<1x128xf32> to vector<128x1xf32>
    %mul3A_100 = arith.mulf %slice3A, %reshape3A_99 : vector<128x1xf32>
    %reduce_sum3A_101 = vector.shape_cast %mul3A_100 : vector<128x1xf32> to vector<1x128x1xf32>
    %reduce_sum3A_102 = arith.constant dense<0.000000e+00> : vector<1xf32>
    %reduce_sum3A_103 = vector.multi_reduction <add>, %reduce_sum3A_101, %reduce_sum3A_102 [1, 2] : vector<1x128x1xf32> to vector<1xf32>
    %reduce_sum3A_104 = vector.shape_cast %reduce_sum3A_103 : vector<1xf32> to vector<1x1x1xf32>
    %reduce_sum3A_105 = vector.extract %reduce_sum3A_104[0, 0, 0] : f32 from vector<1x1x1xf32>
    %add3A_106 = arith.addf %reduce_sum3A_105, %reduce_sum3A_105 : f32
    %add3A_107 = arith.addf %add3A_106, %add3A_95 : f32
    %swap3A_108 = arith.constant 0 : index
    %swap3A_109 = arith.constant 0 : index
    %swap3A_110 = memref.load %arg9[%swap3A_108, %swap3A_109] : memref<1x1xf32, #tpu.memory_space<smem>>
    memref.store %add3A_107, %arg9[%swap3A_108, %swap3A_109] : memref<1x1xf32, #tpu.memory_space<smem>>
    %get3A_111 = arith.constant 0 : index
    %get3A_112 = arith.constant 0 : index
    %get3A_113 = vector.load %arg0[%get3A_111, %get3A_112] : memref<512x512xf32, #tpu.memory_space<vmem>>, vector<512x512xf32>
    %ne3A_114 = arith.constant 0.000000e+00 : f32
    %ne3A_115 = vector.broadcast %ne3A_114 : f32 to vector<512x512xf32>
    %ne3A_116 = arith.cmpf one, %get3A_113, %ne3A_115 : vector<512x512xf32>
    %convert_element_type3A_117 = arith.extui %ne3A_116 : vector<512x512xi1> to vector<512x512xi32>
    %convert_element_type3A_118 = arith.sitofp %convert_element_type3A_117 : vector<512x512xi32> to vector<512x512xf32>
    %iota3A = tpu.iota {dimensions = array<i32: 0>} : vector<512x512xi32>
    %iota3A_119 = tpu.iota {dimensions = array<i32: 1>} : vector<512x512xi32>
    %le3A = arith.cmpi sle, %iota3A, %iota3A_119 : vector<512x512xi32>
    %convert_element_type3A_120 = arith.extui %le3A : vector<512x512xi1> to vector<512x512xi32>
    %convert_element_type3A_121 = arith.sitofp %convert_element_type3A_120 : vector<512x512xi32> to vector<512x512xf32>
    %lt3A_122 = arith.cmpi slt, %iota3A_119, %iota3A : vector<512x512xi32>
    %convert_element_type3A_123 = arith.extui %lt3A_122 : vector<512x512xi1> to vector<512x512xi32>
    %convert_element_type3A_124 = arith.sitofp %convert_element_type3A_123 : vector<512x512xi32> to vector<512x512xf32>
    %dot_general3A_125 = arith.constant dense<0.000000e+00> : vector<512x512xf32>
    %dot_general3A_126 = tpu.matmul %convert_element_type3A_118, %convert_element_type3A_121, %dot_general3A_125 {dimension_numbers = #tpu.dot_dimension_numbers<[1], [0], [0], [1], [0, 0, 1, 1], [], []>, transpose_lhs_hint = false} : vector<512x512xf32>, vector<512x512xf32>, vector<512x512xf32> -> vector<512x512xf32>
    %dot_general3A_127 = arith.constant dense<0.000000e+00> : vector<512x512xf32>
    %dot_general3A_128 = tpu.matmul %convert_element_type3A_124, %convert_element_type3A_118, %dot_general3A_127 {dimension_numbers = #tpu.dot_dimension_numbers<[1], [0], [0], [1], [0, 0, 1, 1], [], []>, transpose_lhs_hint = false} : vector<512x512xf32>, vector<512x512xf32>, vector<512x512xf32> -> vector<512x512xf32>
    %reduce_sum3A_129 = arith.constant dense<0.000000e+00> : vector<512xf32>
    %reduce_sum3A_130 = vector.multi_reduction <add>, %dot_general3A_128, %reduce_sum3A_129 [1] : vector<512x512xf32> to vector<512xf32>
    %broadcast_in_dim3A_131 = vector.shape_cast %reduce_sum3A_130 : vector<512xf32> to vector<512x1xf32>
    %add3A_132 = vector.broadcast %broadcast_in_dim3A_131 : vector<512x1xf32> to vector<512x512xf32>
    %add3A_133 = arith.addf %add3A_132, %dot_general3A_126 : vector<512x512xf32>
    %sub3A = arith.subf %add3A_133, %convert_element_type3A_118 : vector<512x512xf32>
    %convert_element_type3A_134 = arith.fptosi %sub3A : vector<512x512xf32> to vector<512x512xi32>
    %swap3A_135 = arith.constant 0 : index
    %swap3A_136 = arith.constant 0 : index
    %swap3A_137 = vector.load %arg7[%swap3A_135, %swap3A_136] : memref<512x512xi32, #tpu.memory_space<vmem>>, vector<512x512xi32>
    tpu.vector_store %arg7[%swap3A_135, %swap3A_136], %convert_element_type3A_134 {strides = array<i32>} : memref<512x512xi32, #tpu.memory_space<vmem>>, vector<512x512xi32>,
    %reduce_sum3A_138 = vector.shape_cast %convert_element_type3A_118 : vector<512x512xf32> to vector<1x512x512xf32>
    %reduce_sum3A_139 = arith.constant dense<0.000000e+00> : vector<1xf32>
    %reduce_sum3A_140 = vector.multi_reduction <add>, %reduce_sum3A_138, %reduce_sum3A_139 [1, 2] : vector<1x512x512xf32> to vector<1xf32>
    %reduce_sum3A_141 = vector.shape_cast %reduce_sum3A_140 : vector<1xf32> to vector<1x1x1xf32>
    %reduce_sum3A_142 = vector.extract %reduce_sum3A_141[0, 0, 0] : f32 from vector<1x1x1xf32>
    %convert_element_type3A_143 = arith.fptosi %reduce_sum3A_142 : f32 to i32
    %swap3A_144 = arith.constant 0 : index
    %swap3A_145 = arith.constant 0 : index
    %swap3A_146 = memref.load %arg10[%swap3A_144, %swap3A_145] : memref<1x1xi32, #tpu.memory_space<smem>>
    memref.store %convert_element_type3A_143, %arg10[%swap3A_144, %swap3A_145] : memref<1x1xi32, #tpu.memory_space<smem>>
    return
  }
}

module attributes {stable_mosaic.version = 14 : i64} {
  func.func @_score_rows_body(%arg0: i32, %arg1: memref<128x512xf32, #tpu.memory_space<vmem>>, %arg2: memref<1x128xf32, #tpu.memory_space<vmem>>, %arg3: memref<8x512xf32, #tpu.memory_space<vmem>>) attributes {dimension_semantics = [#tpu.dimension_semantics<arbitrary>], iteration_bounds = array<i64: 64>, scalar_prefetch = 0 : i64, scratch_operands = 0 : i64, tpu.core_type = #tpu.core_type<tc>, window_params = [{pipeline_mode = #tpu.pipeline_mode<synchronous>, transform_indices = @transform_0, window_bounds = array<i64: 128, 512>}, {pipeline_mode = #tpu.pipeline_mode<synchronous>, transform_indices = @transform_1, window_bounds = array<i64: 1, 128>}, {transform_indices = @transform_2, window_bounds = array<i64: 8, 512>}]} {
    %get3A = arith.constant 0 : index
    %get3A_0 = arith.constant 0 : index
    %get3A_1 = vector.load %arg1[%get3A, %get3A_0] : memref<128x512xf32, #tpu.memory_space<vmem>>, vector<128x512xf32>
    %get3A_2 = arith.constant 0 : index
    %get3A_3 = arith.constant 0 : index
    %get3A_4 = vector.load %arg2[%get3A_2, %get3A_3] : memref<1x128xf32, #tpu.memory_space<vmem>>, vector<1x128xf32>
    %mul3A = arith.constant 8 : i32
    %mul3A_5 = arith.muli %arg0, %mul3A : i32
    %iota3A = tpu.iota {dimensions = array<i32: 0>} : vector<512x8xi32>
    %iota3A_6 = tpu.iota {dimensions = array<i32: 1>} : vector<512x8xi32>
    %add3A = vector.broadcast %mul3A_5 : i32 to vector<512x8xi32>
    %add3A_7 = arith.addi %add3A, %iota3A_6 : vector<512x8xi32>
    %eq3A = arith.cmpi eq, %iota3A, %add3A_7 : vector<512x8xi32>
    %convert_element_type3A = arith.extui %eq3A : vector<512x8xi1> to vector<512x8xi32>
    %convert_element_type3A_8 = arith.sitofp %convert_element_type3A : vector<512x8xi32> to vector<512x8xf32>
    %dot_general3A = arith.constant dense<0.000000e+00> : vector<128x8xf32>
    %dot_general3A_9 = tpu.matmul %get3A_1, %convert_element_type3A_8, %dot_general3A {dimension_numbers = #tpu.dot_dimension_numbers<[1], [0], [0], [1], [0, 0, 1, 1], [], []>, transpose_lhs_hint = false} : vector<128x512xf32>, vector<512x8xf32>, vector<128x8xf32> -> vector<128x8xf32>
    %slice3A = vector.extract_strided_slice %dot_general3A_9 {offsets = [0, 0], sizes = [128, 1], strides = [1, 1]} : vector<128x8xf32> to vector<128x1xf32>
    %add3A_10 = vector.broadcast %slice3A : vector<128x1xf32> to vector<128x512xf32>
    %add3A_11 = arith.addf %add3A_10, %get3A_1 : vector<128x512xf32>
    %bitcast_convert_type3A = tpu.bitcast %add3A_11 : vector<128x512xf32> -> vector<128x512xi32>
    %add3A_12 = arith.constant 32767 : i32
    %add3A_13 = vector.broadcast %add3A_12 : i32 to vector<128x512xi32>
    %add3A_14 = arith.addi %bitcast_convert_type3A, %add3A_13 : vector<128x512xi32>
    %shift_right_logical3A = arith.constant 16 : i32
    %shift_right_logical3A_15 = vector.broadcast %shift_right_logical3A : i32 to vector<128x512xi32>
    %shift_right_logical3A_16 = arith.shrui %bitcast_convert_type3A, %shift_right_logical3A_15 : vector<128x512xi32>
    %jit3A = arith.constant 2 : i32
    %eq3A_17 = arith.constant 0 : i32
    %eq3A_18 = arith.cmpi eq, %jit3A, %eq3A_17 : i32
    %jit3A_19 = arith.constant 1 : i32
    %select_n3A = arith.select %eq3A_18, %jit3A_19, %jit3A : i32
    %rem3A = vector.broadcast %select_n3A : i32 to vector<128x512xi32>
    %rem3A_20 = arith.remsi %shift_right_logical3A_16, %rem3A : vector<128x512xi32>
    %ne3A = arith.constant 0 : i32
    %ne3A_21 = vector.broadcast %ne3A : i32 to vector<128x512xi32>
    %ne3A_22 = arith.cmpi ne, %rem3A_20, %ne3A_21 : vector<128x512xi32>
    %lt3A = arith.constant 0 : i32
    %lt3A_23 = vector.broadcast %lt3A : i32 to vector<128x512xi32>
    %lt3A_24 = arith.cmpi slt, %rem3A_20, %lt3A_23 : vector<128x512xi32>
    %lt3A_25 = arith.constant 0 : i32
    %lt3A_26 = arith.cmpi slt, %select_n3A, %lt3A_25 : i32
    %ne3A_27 = vector.broadcast %lt3A_26 : i1 to vector<128x512xi1>
    %ne3A_28 = vector.broadcast %ne3A_27 : vector<128x512xi1> to vector<128x512xi1>
    %ne3A_29 = arith.xori %lt3A_24, %ne3A_28 : vector<128x512xi1>
    %and3A = arith.andi %ne3A_29, %ne3A_22 : vector<128x512xi1>
    %add3A_30 = vector.broadcast %select_n3A : i32 to vector<128x512xi32>
    %add3A_31 = arith.addi %rem3A_20, %add3A_30 : vector<128x512xi32>
    %select_n3A_32 = arith.select %and3A, %add3A_31, %rem3A_20 : vector<128x512xi1>, vector<128x512xi32>
    %add3A_33 = arith.addi %add3A_14, %select_n3A_32 : vector<128x512xi32>
    %and3A_34 = arith.constant -65536 : i32
    %and3A_35 = vector.broadcast %and3A_34 : i32 to vector<128x512xi32>
    %and3A_36 = arith.andi %add3A_33, %and3A_35 : vector<128x512xi32>
    %bitcast_convert_type3A_37 = tpu.bitcast %and3A_36 : vector<128x512xi32> -> vector<128x512xf32>
    %dot_general3A_38 = arith.constant dense<0.000000e+00> : vector<1x512xf32>
    %dot_general3A_39 = tpu.matmul %get3A_4, %bitcast_convert_type3A_37, %dot_general3A_38 {dimension_numbers = #tpu.dot_dimension_numbers<[1], [0], [0], [1], [0, 0, 1, 1], [], []>, precision = #tpu.contract_precision<fp32>, transpose_lhs_hint = false} : vector<1x128xf32>, vector<128x512xf32>, vector<1x512xf32> -> vector<1x512xf32>
    %swap3A = arith.constant 0 : index
    %swap3A_40 = arith.constant 0 : index
    %swap3A_41 = vector.load %arg3[%swap3A, %swap3A_40] : memref<8x512xf32, #tpu.memory_space<vmem>>, vector<1x512xf32>
    tpu.vector_store %arg3[%swap3A, %swap3A_40], %dot_general3A_39 {strides = array<i32>} : memref<8x512xf32, #tpu.memory_space<vmem>>, vector<1x512xf32>,
    %slice3A_42 = vector.extract_strided_slice %dot_general3A_9 {offsets = [0, 1], sizes = [128, 1], strides = [1, 1]} : vector<128x8xf32> to vector<128x1xf32>
    %add3A_43 = vector.broadcast %slice3A_42 : vector<128x1xf32> to vector<128x512xf32>
    %add3A_44 = arith.addf %add3A_43, %get3A_1 : vector<128x512xf32>
    %bitcast_convert_type3A_45 = tpu.bitcast %add3A_44 : vector<128x512xf32> -> vector<128x512xi32>
    %add3A_46 = arith.constant 32767 : i32
    %add3A_47 = vector.broadcast %add3A_46 : i32 to vector<128x512xi32>
    %add3A_48 = arith.addi %bitcast_convert_type3A_45, %add3A_47 : vector<128x512xi32>
    %shift_right_logical3A_49 = arith.constant 16 : i32
    %shift_right_logical3A_50 = vector.broadcast %shift_right_logical3A_49 : i32 to vector<128x512xi32>
    %shift_right_logical3A_51 = arith.shrui %bitcast_convert_type3A_45, %shift_right_logical3A_50 : vector<128x512xi32>
    %jit3A_52 = arith.constant 2 : i32
    %eq3A_53 = arith.constant 0 : i32
    %eq3A_54 = arith.cmpi eq, %jit3A_52, %eq3A_53 : i32
    %jit3A_55 = arith.constant 1 : i32
    %select_n3A_56 = arith.select %eq3A_54, %jit3A_55, %jit3A_52 : i32
    %rem3A_57 = vector.broadcast %select_n3A_56 : i32 to vector<128x512xi32>
    %rem3A_58 = arith.remsi %shift_right_logical3A_51, %rem3A_57 : vector<128x512xi32>
    %ne3A_59 = arith.constant 0 : i32
    %ne3A_60 = vector.broadcast %ne3A_59 : i32 to vector<128x512xi32>
    %ne3A_61 = arith.cmpi ne, %rem3A_58, %ne3A_60 : vector<128x512xi32>
    %lt3A_62 = arith.constant 0 : i32
    %lt3A_63 = vector.broadcast %lt3A_62 : i32 to vector<128x512xi32>
    %lt3A_64 = arith.cmpi slt, %rem3A_58, %lt3A_63 : vector<128x512xi32>
    %lt3A_65 = arith.constant 0 : i32
    %lt3A_66 = arith.cmpi slt, %select_n3A_56, %lt3A_65 : i32
    %ne3A_67 = vector.broadcast %lt3A_66 : i1 to vector<128x512xi1>
    %ne3A_68 = vector.broadcast %ne3A_67 : vector<128x512xi1> to vector<128x512xi1>
    %ne3A_69 = arith.xori %lt3A_64, %ne3A_68 : vector<128x512xi1>
    %and3A_70 = arith.andi %ne3A_69, %ne3A_61 : vector<128x512xi1>
    %add3A_71 = vector.broadcast %select_n3A_56 : i32 to vector<128x512xi32>
    %add3A_72 = arith.addi %rem3A_58, %add3A_71 : vector<128x512xi32>
    %select_n3A_73 = arith.select %and3A_70, %add3A_72, %rem3A_58 : vector<128x512xi1>, vector<128x512xi32>
    %add3A_74 = arith.addi %add3A_48, %select_n3A_73 : vector<128x512xi32>
    %and3A_75 = arith.constant -65536 : i32
    %and3A_76 = vector.broadcast %and3A_75 : i32 to vector<128x512xi32>
    %and3A_77 = arith.andi %add3A_74, %and3A_76 : vector<128x512xi32>
    %bitcast_convert_type3A_78 = tpu.bitcast %and3A_77 : vector<128x512xi32> -> vector<128x512xf32>
    %dot_general3A_79 = arith.constant dense<0.000000e+00> : vector<1x512xf32>
    %dot_general3A_80 = tpu.matmul %get3A_4, %bitcast_convert_type3A_78, %dot_general3A_79 {dimension_numbers = #tpu.dot_dimension_numbers<[1], [0], [0], [1], [0, 0, 1, 1], [], []>, precision = #tpu.contract_precision<fp32>, transpose_lhs_hint = false} : vector<1x128xf32>, vector<128x512xf32>, vector<1x512xf32> -> vector<1x512xf32>
    %swap3A_81 = arith.constant 1 : index
    %swap3A_82 = arith.constant 0 : index
    %swap3A_83 = vector.load %arg3[%swap3A_81, %swap3A_82] : memref<8x512xf32, #tpu.memory_space<vmem>>, vector<1x512xf32>
    tpu.vector_store %arg3[%swap3A_81, %swap3A_82], %dot_general3A_80 {strides = array<i32>} : memref<8x512xf32, #tpu.memory_space<vmem>>, vector<1x512xf32>,
    %slice3A_84 = vector.extract_strided_slice %dot_general3A_9 {offsets = [0, 2], sizes = [128, 1], strides = [1, 1]} : vector<128x8xf32> to vector<128x1xf32>
    %add3A_85 = vector.broadcast %slice3A_84 : vector<128x1xf32> to vector<128x512xf32>
    %add3A_86 = arith.addf %add3A_85, %get3A_1 : vector<128x512xf32>
    %bitcast_convert_type3A_87 = tpu.bitcast %add3A_86 : vector<128x512xf32> -> vector<128x512xi32>
    %add3A_88 = arith.constant 32767 : i32
    %add3A_89 = vector.broadcast %add3A_88 : i32 to vector<128x512xi32>
    %add3A_90 = arith.addi %bitcast_convert_type3A_87, %add3A_89 : vector<128x512xi32>
    %shift_right_logical3A_91 = arith.constant 16 : i32
    %shift_right_logical3A_92 = vector.broadcast %shift_right_logical3A_91 : i32 to vector<128x512xi32>
    %shift_right_logical3A_93 = arith.shrui %bitcast_convert_type3A_87, %shift_right_logical3A_92 : vector<128x512xi32>
    %jit3A_94 = arith.constant 2 : i32
    %eq3A_95 = arith.constant 0 : i32
    %eq3A_96 = arith.cmpi eq, %jit3A_94, %eq3A_95 : i32
    %jit3A_97 = arith.constant 1 : i32
    %select_n3A_98 = arith.select %eq3A_96, %jit3A_97, %jit3A_94 : i32
    %rem3A_99 = vector.broadcast %select_n3A_98 : i32 to vector<128x512xi32>
    %rem3A_100 = arith.remsi %shift_right_logical3A_93, %rem3A_99 : vector<128x512xi32>
    %ne3A_101 = arith.constant 0 : i32
    %ne3A_102 = vector.broadcast %ne3A_101 : i32 to vector<128x512xi32>
    %ne3A_103 = arith.cmpi ne, %rem3A_100, %ne3A_102 : vector<128x512xi32>
    %lt3A_104 = arith.constant 0 : i32
    %lt3A_105 = vector.broadcast %lt3A_104 : i32 to vector<128x512xi32>
    %lt3A_106 = arith.cmpi slt, %rem3A_100, %lt3A_105 : vector<128x512xi32>
    %lt3A_107 = arith.constant 0 : i32
    %lt3A_108 = arith.cmpi slt, %select_n3A_98, %lt3A_107 : i32
    %ne3A_109 = vector.broadcast %lt3A_108 : i1 to vector<128x512xi1>
    %ne3A_110 = vector.broadcast %ne3A_109 : vector<128x512xi1> to vector<128x512xi1>
    %ne3A_111 = arith.xori %lt3A_106, %ne3A_110 : vector<128x512xi1>
    %and3A_112 = arith.andi %ne3A_111, %ne3A_103 : vector<128x512xi1>
    %add3A_113 = vector.broadcast %select_n3A_98 : i32 to vector<128x512xi32>
    %add3A_114 = arith.addi %rem3A_100, %add3A_113 : vector<128x512xi32>
    %select_n3A_115 = arith.select %and3A_112, %add3A_114, %rem3A_100 : vector<128x512xi1>, vector<128x512xi32>
    %add3A_116 = arith.addi %add3A_90, %select_n3A_115 : vector<128x512xi32>
    %and3A_117 = arith.constant -65536 : i32
    %and3A_118 = vector.broadcast %and3A_117 : i32 to vector<128x512xi32>
    %and3A_119 = arith.andi %add3A_116, %and3A_118 : vector<128x512xi32>
    %bitcast_convert_type3A_120 = tpu.bitcast %and3A_119 : vector<128x512xi32> -> vector<128x512xf32>
    %dot_general3A_121 = arith.constant dense<0.000000e+00> : vector<1x512xf32>
    %dot_general3A_122 = tpu.matmul %get3A_4, %bitcast_convert_type3A_120, %dot_general3A_121 {dimension_numbers = #tpu.dot_dimension_numbers<[1], [0], [0], [1], [0, 0, 1, 1], [], []>, precision = #tpu.contract_precision<fp32>, transpose_lhs_hint = false} : vector<1x128xf32>, vector<128x512xf32>, vector<1x512xf32> -> vector<1x512xf32>
    %swap3A_123 = arith.constant 2 : index
    %swap3A_124 = arith.constant 0 : index
    %swap3A_125 = vector.load %arg3[%swap3A_123, %swap3A_124] : memref<8x512xf32, #tpu.memory_space<vmem>>, vector<1x512xf32>
    tpu.vector_store %arg3[%swap3A_123, %swap3A_124], %dot_general3A_122 {strides = array<i32>} : memref<8x512xf32, #tpu.memory_space<vmem>>, vector<1x512xf32>,
    %slice3A_126 = vector.extract_strided_slice %dot_general3A_9 {offsets = [0, 3], sizes = [128, 1], strides = [1, 1]} : vector<128x8xf32> to vector<128x1xf32>
    %add3A_127 = vector.broadcast %slice3A_126 : vector<128x1xf32> to vector<128x512xf32>
    %add3A_128 = arith.addf %add3A_127, %get3A_1 : vector<128x512xf32>
    %bitcast_convert_type3A_129 = tpu.bitcast %add3A_128 : vector<128x512xf32> -> vector<128x512xi32>
    %add3A_130 = arith.constant 32767 : i32
    %add3A_131 = vector.broadcast %add3A_130 : i32 to vector<128x512xi32>
    %add3A_132 = arith.addi %bitcast_convert_type3A_129, %add3A_131 : vector<128x512xi32>
    %shift_right_logical3A_133 = arith.constant 16 : i32
    %shift_right_logical3A_134 = vector.broadcast %shift_right_logical3A_133 : i32 to vector<128x512xi32>
    %shift_right_logical3A_135 = arith.shrui %bitcast_convert_type3A_129, %shift_right_logical3A_134 : vector<128x512xi32>
    %jit3A_136 = arith.constant 2 : i32
    %eq3A_137 = arith.constant 0 : i32
    %eq3A_138 = arith.cmpi eq, %jit3A_136, %eq3A_137 : i32
    %jit3A_139 = arith.constant 1 : i32
    %select_n3A_140 = arith.select %eq3A_138, %jit3A_139, %jit3A_136 : i32
    %rem3A_141 = vector.broadcast %select_n3A_140 : i32 to vector<128x512xi32>
    %rem3A_142 = arith.remsi %shift_right_logical3A_135, %rem3A_141 : vector<128x512xi32>
    %ne3A_143 = arith.constant 0 : i32
    %ne3A_144 = vector.broadcast %ne3A_143 : i32 to vector<128x512xi32>
    %ne3A_145 = arith.cmpi ne, %rem3A_142, %ne3A_144 : vector<128x512xi32>
    %lt3A_146 = arith.constant 0 : i32
    %lt3A_147 = vector.broadcast %lt3A_146 : i32 to vector<128x512xi32>
    %lt3A_148 = arith.cmpi slt, %rem3A_142, %lt3A_147 : vector<128x512xi32>
    %lt3A_149 = arith.constant 0 : i32
    %lt3A_150 = arith.cmpi slt, %select_n3A_140, %lt3A_149 : i32
    %ne3A_151 = vector.broadcast %lt3A_150 : i1 to vector<128x512xi1>
    %ne3A_152 = vector.broadcast %ne3A_151 : vector<128x512xi1> to vector<128x512xi1>
    %ne3A_153 = arith.xori %lt3A_148, %ne3A_152 : vector<128x512xi1>
    %and3A_154 = arith.andi %ne3A_153, %ne3A_145 : vector<128x512xi1>
    %add3A_155 = vector.broadcast %select_n3A_140 : i32 to vector<128x512xi32>
    %add3A_156 = arith.addi %rem3A_142, %add3A_155 : vector<128x512xi32>
    %select_n3A_157 = arith.select %and3A_154, %add3A_156, %rem3A_142 : vector<128x512xi1>, vector<128x512xi32>
    %add3A_158 = arith.addi %add3A_132, %select_n3A_157 : vector<128x512xi32>
    %and3A_159 = arith.constant -65536 : i32
    %and3A_160 = vector.broadcast %and3A_159 : i32 to vector<128x512xi32>
    %and3A_161 = arith.andi %add3A_158, %and3A_160 : vector<128x512xi32>
    %bitcast_convert_type3A_162 = tpu.bitcast %and3A_161 : vector<128x512xi32> -> vector<128x512xf32>
    %dot_general3A_163 = arith.constant dense<0.000000e+00> : vector<1x512xf32>
    %dot_general3A_164 = tpu.matmul %get3A_4, %bitcast_convert_type3A_162, %dot_general3A_163 {dimension_numbers = #tpu.dot_dimension_numbers<[1], [0], [0], [1], [0, 0, 1, 1], [], []>, precision = #tpu.contract_precision<fp32>, transpose_lhs_hint = false} : vector<1x128xf32>, vector<128x512xf32>, vector<1x512xf32> -> vector<1x512xf32>
    %swap3A_165 = arith.constant 3 : index
    %swap3A_166 = arith.constant 0 : index
    %swap3A_167 = vector.load %arg3[%swap3A_165, %swap3A_166] : memref<8x512xf32, #tpu.memory_space<vmem>>, vector<1x512xf32>
    tpu.vector_store %arg3[%swap3A_165, %swap3A_166], %dot_general3A_164 {strides = array<i32>} : memref<8x512xf32, #tpu.memory_space<vmem>>, vector<1x512xf32>,
    %slice3A_168 = vector.extract_strided_slice %dot_general3A_9 {offsets = [0, 4], sizes = [128, 1], strides = [1, 1]} : vector<128x8xf32> to vector<128x1xf32>
    %add3A_169 = vector.broadcast %slice3A_168 : vector<128x1xf32> to vector<128x512xf32>
    %add3A_170 = arith.addf %add3A_169, %get3A_1 : vector<128x512xf32>
    %bitcast_convert_type3A_171 = tpu.bitcast %add3A_170 : vector<128x512xf32> -> vector<128x512xi32>
    %add3A_172 = arith.constant 32767 : i32
    %add3A_173 = vector.broadcast %add3A_172 : i32 to vector<128x512xi32>
    %add3A_174 = arith.addi %bitcast_convert_type3A_171, %add3A_173 : vector<128x512xi32>
    %shift_right_logical3A_175 = arith.constant 16 : i32
    %shift_right_logical3A_176 = vector.broadcast %shift_right_logical3A_175 : i32 to vector<128x512xi32>
    %shift_right_logical3A_177 = arith.shrui %bitcast_convert_type3A_171, %shift_right_logical3A_176 : vector<128x512xi32>
    %jit3A_178 = arith.constant 2 : i32
    %eq3A_179 = arith.constant 0 : i32
    %eq3A_180 = arith.cmpi eq, %jit3A_178, %eq3A_179 : i32
    %jit3A_181 = arith.constant 1 : i32
    %select_n3A_182 = arith.select %eq3A_180, %jit3A_181, %jit3A_178 : i32
    %rem3A_183 = vector.broadcast %select_n3A_182 : i32 to vector<128x512xi32>
    %rem3A_184 = arith.remsi %shift_right_logical3A_177, %rem3A_183 : vector<128x512xi32>
    %ne3A_185 = arith.constant 0 : i32
    %ne3A_186 = vector.broadcast %ne3A_185 : i32 to vector<128x512xi32>
    %ne3A_187 = arith.cmpi ne, %rem3A_184, %ne3A_186 : vector<128x512xi32>
    %lt3A_188 = arith.constant 0 : i32
    %lt3A_189 = vector.broadcast %lt3A_188 : i32 to vector<128x512xi32>
    %lt3A_190 = arith.cmpi slt, %rem3A_184, %lt3A_189 : vector<128x512xi32>
    %lt3A_191 = arith.constant 0 : i32
    %lt3A_192 = arith.cmpi slt, %select_n3A_182, %lt3A_191 : i32
    %ne3A_193 = vector.broadcast %lt3A_192 : i1 to vector<128x512xi1>
    %ne3A_194 = vector.broadcast %ne3A_193 : vector<128x512xi1> to vector<128x512xi1>
    %ne3A_195 = arith.xori %lt3A_190, %ne3A_194 : vector<128x512xi1>
    %and3A_196 = arith.andi %ne3A_195, %ne3A_187 : vector<128x512xi1>
    %add3A_197 = vector.broadcast %select_n3A_182 : i32 to vector<128x512xi32>
    %add3A_198 = arith.addi %rem3A_184, %add3A_197 : vector<128x512xi32>
    %select_n3A_199 = arith.select %and3A_196, %add3A_198, %rem3A_184 : vector<128x512xi1>, vector<128x512xi32>
    %add3A_200 = arith.addi %add3A_174, %select_n3A_199 : vector<128x512xi32>
    %and3A_201 = arith.constant -65536 : i32
    %and3A_202 = vector.broadcast %and3A_201 : i32 to vector<128x512xi32>
    %and3A_203 = arith.andi %add3A_200, %and3A_202 : vector<128x512xi32>
    %bitcast_convert_type3A_204 = tpu.bitcast %and3A_203 : vector<128x512xi32> -> vector<128x512xf32>
    %dot_general3A_205 = arith.constant dense<0.000000e+00> : vector<1x512xf32>
    %dot_general3A_206 = tpu.matmul %get3A_4, %bitcast_convert_type3A_204, %dot_general3A_205 {dimension_numbers = #tpu.dot_dimension_numbers<[1], [0], [0], [1], [0, 0, 1, 1], [], []>, precision = #tpu.contract_precision<fp32>, transpose_lhs_hint = false} : vector<1x128xf32>, vector<128x512xf32>, vector<1x512xf32> -> vector<1x512xf32>
    %swap3A_207 = arith.constant 4 : index
    %swap3A_208 = arith.constant 0 : index
    %swap3A_209 = vector.load %arg3[%swap3A_207, %swap3A_208] : memref<8x512xf32, #tpu.memory_space<vmem>>, vector<1x512xf32>
    tpu.vector_store %arg3[%swap3A_207, %swap3A_208], %dot_general3A_206 {strides = array<i32>} : memref<8x512xf32, #tpu.memory_space<vmem>>, vector<1x512xf32>,
    %slice3A_210 = vector.extract_strided_slice %dot_general3A_9 {offsets = [0, 5], sizes = [128, 1], strides = [1, 1]} : vector<128x8xf32> to vector<128x1xf32>
    %add3A_211 = vector.broadcast %slice3A_210 : vector<128x1xf32> to vector<128x512xf32>
    %add3A_212 = arith.addf %add3A_211, %get3A_1 : vector<128x512xf32>
    %bitcast_convert_type3A_213 = tpu.bitcast %add3A_212 : vector<128x512xf32> -> vector<128x512xi32>
    %add3A_214 = arith.constant 32767 : i32
    %add3A_215 = vector.broadcast %add3A_214 : i32 to vector<128x512xi32>
    %add3A_216 = arith.addi %bitcast_convert_type3A_213, %add3A_215 : vector<128x512xi32>
    %shift_right_logical3A_217 = arith.constant 16 : i32
    %shift_right_logical3A_218 = vector.broadcast %shift_right_logical3A_217 : i32 to vector<128x512xi32>
    %shift_right_logical3A_219 = arith.shrui %bitcast_convert_type3A_213, %shift_right_logical3A_218 : vector<128x512xi32>
    %jit3A_220 = arith.constant 2 : i32
    %eq3A_221 = arith.constant 0 : i32
    %eq3A_222 = arith.cmpi eq, %jit3A_220, %eq3A_221 : i32
    %jit3A_223 = arith.constant 1 : i32
    %select_n3A_224 = arith.select %eq3A_222, %jit3A_223, %jit3A_220 : i32
    %rem3A_225 = vector.broadcast %select_n3A_224 : i32 to vector<128x512xi32>
    %rem3A_226 = arith.remsi %shift_right_logical3A_219, %rem3A_225 : vector<128x512xi32>
    %ne3A_227 = arith.constant 0 : i32
    %ne3A_228 = vector.broadcast %ne3A_227 : i32 to vector<128x512xi32>
    %ne3A_229 = arith.cmpi ne, %rem3A_226, %ne3A_228 : vector<128x512xi32>
    %lt3A_230 = arith.constant 0 : i32
    %lt3A_231 = vector.broadcast %lt3A_230 : i32 to vector<128x512xi32>
    %lt3A_232 = arith.cmpi slt, %rem3A_226, %lt3A_231 : vector<128x512xi32>
    %lt3A_233 = arith.constant 0 : i32
    %lt3A_234 = arith.cmpi slt, %select_n3A_224, %lt3A_233 : i32
    %ne3A_235 = vector.broadcast %lt3A_234 : i1 to vector<128x512xi1>
    %ne3A_236 = vector.broadcast %ne3A_235 : vector<128x512xi1> to vector<128x512xi1>
    %ne3A_237 = arith.xori %lt3A_232, %ne3A_236 : vector<128x512xi1>
    %and3A_238 = arith.andi %ne3A_237, %ne3A_229 : vector<128x512xi1>
    %add3A_239 = vector.broadcast %select_n3A_224 : i32 to vector<128x512xi32>
    %add3A_240 = arith.addi %rem3A_226, %add3A_239 : vector<128x512xi32>
    %select_n3A_241 = arith.select %and3A_238, %add3A_240, %rem3A_226 : vector<128x512xi1>, vector<128x512xi32>
    %add3A_242 = arith.addi %add3A_216, %select_n3A_241 : vector<128x512xi32>
    %and3A_243 = arith.constant -65536 : i32
    %and3A_244 = vector.broadcast %and3A_243 : i32 to vector<128x512xi32>
    %and3A_245 = arith.andi %add3A_242, %and3A_244 : vector<128x512xi32>
    %bitcast_convert_type3A_246 = tpu.bitcast %and3A_245 : vector<128x512xi32> -> vector<128x512xf32>
    %dot_general3A_247 = arith.constant dense<0.000000e+00> : vector<1x512xf32>
    %dot_general3A_248 = tpu.matmul %get3A_4, %bitcast_convert_type3A_246, %dot_general3A_247 {dimension_numbers = #tpu.dot_dimension_numbers<[1], [0], [0], [1], [0, 0, 1, 1], [], []>, precision = #tpu.contract_precision<fp32>, transpose_lhs_hint = false} : vector<1x128xf32>, vector<128x512xf32>, vector<1x512xf32> -> vector<1x512xf32>
    %swap3A_249 = arith.constant 5 : index
    %swap3A_250 = arith.constant 0 : index
    %swap3A_251 = vector.load %arg3[%swap3A_249, %swap3A_250] : memref<8x512xf32, #tpu.memory_space<vmem>>, vector<1x512xf32>
    tpu.vector_store %arg3[%swap3A_249, %swap3A_250], %dot_general3A_248 {strides = array<i32>} : memref<8x512xf32, #tpu.memory_space<vmem>>, vector<1x512xf32>,
    %slice3A_252 = vector.extract_strided_slice %dot_general3A_9 {offsets = [0, 6], sizes = [128, 1], strides = [1, 1]} : vector<128x8xf32> to vector<128x1xf32>
    %add3A_253 = vector.broadcast %slice3A_252 : vector<128x1xf32> to vector<128x512xf32>
    %add3A_254 = arith.addf %add3A_253, %get3A_1 : vector<128x512xf32>
    %bitcast_convert_type3A_255 = tpu.bitcast %add3A_254 : vector<128x512xf32> -> vector<128x512xi32>
    %add3A_256 = arith.constant 32767 : i32
    %add3A_257 = vector.broadcast %add3A_256 : i32 to vector<128x512xi32>
    %add3A_258 = arith.addi %bitcast_convert_type3A_255, %add3A_257 : vector<128x512xi32>
    %shift_right_logical3A_259 = arith.constant 16 : i32
    %shift_right_logical3A_260 = vector.broadcast %shift_right_logical3A_259 : i32 to vector<128x512xi32>
    %shift_right_logical3A_261 = arith.shrui %bitcast_convert_type3A_255, %shift_right_logical3A_260 : vector<128x512xi32>
    %jit3A_262 = arith.constant 2 : i32
    %eq3A_263 = arith.constant 0 : i32
    %eq3A_264 = arith.cmpi eq, %jit3A_262, %eq3A_263 : i32
    %jit3A_265 = arith.constant 1 : i32
    %select_n3A_266 = arith.select %eq3A_264, %jit3A_265, %jit3A_262 : i32
    %rem3A_267 = vector.broadcast %select_n3A_266 : i32 to vector<128x512xi32>
    %rem3A_268 = arith.remsi %shift_right_logical3A_261, %rem3A_267 : vector<128x512xi32>
    %ne3A_269 = arith.constant 0 : i32
    %ne3A_270 = vector.broadcast %ne3A_269 : i32 to vector<128x512xi32>
    %ne3A_271 = arith.cmpi ne, %rem3A_268, %ne3A_270 : vector<128x512xi32>
    %lt3A_272 = arith.constant 0 : i32
    %lt3A_273 = vector.broadcast %lt3A_272 : i32 to vector<128x512xi32>
    %lt3A_274 = arith.cmpi slt, %rem3A_268, %lt3A_273 : vector<128x512xi32>
    %lt3A_275 = arith.constant 0 : i32
    %lt3A_276 = arith.cmpi slt, %select_n3A_266, %lt3A_275 : i32
    %ne3A_277 = vector.broadcast %lt3A_276 : i1 to vector<128x512xi1>
    %ne3A_278 = vector.broadcast %ne3A_277 : vector<128x512xi1> to vector<128x512xi1>
    %ne3A_279 = arith.xori %lt3A_274, %ne3A_278 : vector<128x512xi1>
    %and3A_280 = arith.andi %ne3A_279, %ne3A_271 : vector<128x512xi1>
    %add3A_281 = vector.broadcast %select_n3A_266 : i32 to vector<128x512xi32>
    %add3A_282 = arith.addi %rem3A_268, %add3A_281 : vector<128x512xi32>
    %select_n3A_283 = arith.select %and3A_280, %add3A_282, %rem3A_268 : vector<128x512xi1>, vector<128x512xi32>
    %add3A_284 = arith.addi %add3A_258, %select_n3A_283 : vector<128x512xi32>
    %and3A_285 = arith.constant -65536 : i32
    %and3A_286 = vector.broadcast %and3A_285 : i32 to vector<128x512xi32>
    %and3A_287 = arith.andi %add3A_284, %and3A_286 : vector<128x512xi32>
    %bitcast_convert_type3A_288 = tpu.bitcast %and3A_287 : vector<128x512xi32> -> vector<128x512xf32>
    %dot_general3A_289 = arith.constant dense<0.000000e+00> : vector<1x512xf32>
    %dot_general3A_290 = tpu.matmul %get3A_4, %bitcast_convert_type3A_288, %dot_general3A_289 {dimension_numbers = #tpu.dot_dimension_numbers<[1], [0], [0], [1], [0, 0, 1, 1], [], []>, precision = #tpu.contract_precision<fp32>, transpose_lhs_hint = false} : vector<1x128xf32>, vector<128x512xf32>, vector<1x512xf32> -> vector<1x512xf32>
    %swap3A_291 = arith.constant 6 : index
    %swap3A_292 = arith.constant 0 : index
    %swap3A_293 = vector.load %arg3[%swap3A_291, %swap3A_292] : memref<8x512xf32, #tpu.memory_space<vmem>>, vector<1x512xf32>
    tpu.vector_store %arg3[%swap3A_291, %swap3A_292], %dot_general3A_290 {strides = array<i32>} : memref<8x512xf32, #tpu.memory_space<vmem>>, vector<1x512xf32>,
    %slice3A_294 = vector.extract_strided_slice %dot_general3A_9 {offsets = [0, 7], sizes = [128, 1], strides = [1, 1]} : vector<128x8xf32> to vector<128x1xf32>
    %add3A_295 = vector.broadcast %slice3A_294 : vector<128x1xf32> to vector<128x512xf32>
    %add3A_296 = arith.addf %add3A_295, %get3A_1 : vector<128x512xf32>
    %bitcast_convert_type3A_297 = tpu.bitcast %add3A_296 : vector<128x512xf32> -> vector<128x512xi32>
    %add3A_298 = arith.constant 32767 : i32
    %add3A_299 = vector.broadcast %add3A_298 : i32 to vector<128x512xi32>
    %add3A_300 = arith.addi %bitcast_convert_type3A_297, %add3A_299 : vector<128x512xi32>
    %shift_right_logical3A_301 = arith.constant 16 : i32
    %shift_right_logical3A_302 = vector.broadcast %shift_right_logical3A_301 : i32 to vector<128x512xi32>
    %shift_right_logical3A_303 = arith.shrui %bitcast_convert_type3A_297, %shift_right_logical3A_302 : vector<128x512xi32>
    %jit3A_304 = arith.constant 2 : i32
    %eq3A_305 = arith.constant 0 : i32
    %eq3A_306 = arith.cmpi eq, %jit3A_304, %eq3A_305 : i32
    %jit3A_307 = arith.constant 1 : i32
    %select_n3A_308 = arith.select %eq3A_306, %jit3A_307, %jit3A_304 : i32
    %rem3A_309 = vector.broadcast %select_n3A_308 : i32 to vector<128x512xi32>
    %rem3A_310 = arith.remsi %shift_right_logical3A_303, %rem3A_309 : vector<128x512xi32>
    %ne3A_311 = arith.constant 0 : i32
    %ne3A_312 = vector.broadcast %ne3A_311 : i32 to vector<128x512xi32>
    %ne3A_313 = arith.cmpi ne, %rem3A_310, %ne3A_312 : vector<128x512xi32>
    %lt3A_314 = arith.constant 0 : i32
    %lt3A_315 = vector.broadcast %lt3A_314 : i32 to vector<128x512xi32>
    %lt3A_316 = arith.cmpi slt, %rem3A_310, %lt3A_315 : vector<128x512xi32>
    %lt3A_317 = arith.constant 0 : i32
    %lt3A_318 = arith.cmpi slt, %select_n3A_308, %lt3A_317 : i32
    %ne3A_319 = vector.broadcast %lt3A_318 : i1 to vector<128x512xi1>
    %ne3A_320 = vector.broadcast %ne3A_319 : vector<128x512xi1> to vector<128x512xi1>
    %ne3A_321 = arith.xori %lt3A_316, %ne3A_320 : vector<128x512xi1>
    %and3A_322 = arith.andi %ne3A_321, %ne3A_313 : vector<128x512xi1>
    %add3A_323 = vector.broadcast %select_n3A_308 : i32 to vector<128x512xi32>
    %add3A_324 = arith.addi %rem3A_310, %add3A_323 : vector<128x512xi32>
    %select_n3A_325 = arith.select %and3A_322, %add3A_324, %rem3A_310 : vector<128x512xi1>, vector<128x512xi32>
    %add3A_326 = arith.addi %add3A_300, %select_n3A_325 : vector<128x512xi32>
    %and3A_327 = arith.constant -65536 : i32
    %and3A_328 = vector.broadcast %and3A_327 : i32 to vector<128x512xi32>
    %and3A_329 = arith.andi %add3A_326, %and3A_328 : vector<128x512xi32>
    %bitcast_convert_type3A_330 = tpu.bitcast %and3A_329 : vector<128x512xi32> -> vector<128x512xf32>
    %dot_general3A_331 = arith.constant dense<0.000000e+00> : vector<1x512xf32>
    %dot_general3A_332 = tpu.matmul %get3A_4, %bitcast_convert_type3A_330, %dot_general3A_331 {dimension_numbers = #tpu.dot_dimension_numbers<[1], [0], [0], [1], [0, 0, 1, 1], [], []>, precision = #tpu.contract_precision<fp32>, transpose_lhs_hint = false} : vector<1x128xf32>, vector<128x512xf32>, vector<1x512xf32> -> vector<1x512xf32>
    %swap3A_333 = arith.constant 7 : index
    %swap3A_334 = arith.constant 0 : index
    %swap3A_335 = vector.load %arg3[%swap3A_333, %swap3A_334] : memref<8x512xf32, #tpu.memory_space<vmem>>, vector<1x512xf32>
    tpu.vector_store %arg3[%swap3A_333, %swap3A_334], %dot_general3A_332 {strides = array<i32>} : memref<8x512xf32, #tpu.memory_space<vmem>>, vector<1x512xf32>,
    return
  }
  func.func @transform_0(%arg0: i32) -> (i32, i32) {
    %c0_i32 = arith.constant 0 : i32
    %c0_i32_0 = arith.constant 0 : i32
    %c0_i32_1 = arith.constant 0 : i32
    return %c0_i32, %c0_i32_0 : i32, i32
  }
  func.func @transform_1(%arg0: i32) -> (i32, i32) {
    %c0_i32 = arith.constant 0 : i32
    %c0_i32_0 = arith.constant 0 : i32
    %c0_i32_1 = arith.constant 0 : i32
    return %c0_i32, %c0_i32_0 : i32, i32
  }
  func.func @transform_2(%arg0: i32) -> (i32, i32) {
    %c0_i32 = arith.constant 0 : i32
    %c0_i32_0 = arith.constant 0 : i32
    return %arg0, %c0_i32 : i32, i32
  }
}

module attributes {stable_mosaic.version = 14 : i64} {
  func.func @_select_stage_body(%arg0: memref<512x512xf32, #tpu.memory_space<vmem>>, %arg1: memref<512x512xf32, #tpu.memory_space<vmem>>, %arg2: memref<512x512xf32, #tpu.memory_space<vmem>>, %arg3: memref<512x512xf32, #tpu.memory_space<vmem>>, %arg4: memref<1x1xf32, #tpu.memory_space<smem>>, %arg5: memref<1x1xf32, #tpu.memory_space<smem>>, %arg6: memref<1x1xi32, #tpu.memory_space<smem>>, %arg7: memref<512x512xf32, #tpu.memory_space<vmem>>) attributes {dimension_semantics = [], scalar_prefetch = 0 : i64, scratch_operands = 0 : i64, tpu.core_type = #tpu.core_type<tc>} {
    %get3A = arith.constant 0 : index
    %get3A_0 = arith.constant 0 : index
    %get3A_1 = vector.load %arg0[%get3A, %get3A_0] : memref<512x512xf32, #tpu.memory_space<vmem>>, vector<512x512xf32>
    %ne3A = arith.constant 0.000000e+00 : f32
    %ne3A_2 = vector.broadcast %ne3A : f32 to vector<512x512xf32>
    %ne3A_3 = arith.cmpf one, %get3A_1, %ne3A_2 : vector<512x512xf32>
    %get3A_4 = arith.constant 0 : index
    %get3A_5 = arith.constant 0 : index
    %get3A_6 = memref.load %arg4[%get3A_4, %get3A_5] : memref<1x1xf32, #tpu.memory_space<smem>>
    %get3A_7 = arith.constant 0 : index
    %get3A_8 = arith.constant 0 : index
    %get3A_9 = vector.load %arg1[%get3A_7, %get3A_8] : memref<512x512xf32, #tpu.memory_space<vmem>>, vector<512x512xf32>
    %add3A = vector.broadcast %get3A_6 : f32 to vector<512x512xf32>
    %add3A_10 = arith.addf %get3A_9, %add3A : vector<512x512xf32>
    %get3A_11 = arith.constant 0 : index
    %get3A_12 = arith.constant 0 : index
    %get3A_13 = vector.load %arg2[%get3A_11, %get3A_12] : memref<512x512xf32, #tpu.memory_space<vmem>>, vector<512x512xf32>
    %add3A_14 = arith.addf %add3A_10, %get3A_13 : vector<512x512xf32>
    %bitcast_convert_type3A = tpu.bitcast %add3A_14 : vector<512x512xf32> -> vector<512x512xi32>
    %ge3A = arith.constant 0 : i32
    %ge3A_15 = vector.broadcast %ge3A : i32 to vector<512x512xi32>
    %ge3A_16 = arith.cmpi sge, %bitcast_convert_type3A, %ge3A_15 : vector<512x512xi32>
    %xor3A = arith.constant 2147483647 : i32
    %xor3A_17 = vector.broadcast %xor3A : i32 to vector<512x512xi32>
    %xor3A_18 = arith.xori %bitcast_convert_type3A, %xor3A_17 : vector<512x512xi32>
    %select_n3A = arith.select %ge3A_16, %bitcast_convert_type3A, %xor3A_18 : vector<512x512xi1>, vector<512x512xi32>
    %jit3A = arith.constant -2147483648 : i32
    %broadcast_in_dim3A = vector.broadcast %jit3A : i32 to vector<512x512xi32>
    %select_n3A_19 = arith.select %ne3A_3, %select_n3A, %broadcast_in_dim3A : vector<512x512xi1>, vector<512x512xi32>
    %iota3A = tpu.iota {dimensions = array<i32: 0>} : vector<512x512xi32>
    %iota3A_20 = tpu.iota {dimensions = array<i32: 1>} : vector<512x512xi32>
    %mul3A = arith.constant 512 : i32
    %mul3A_21 = vector.broadcast %mul3A : i32 to vector<512x512xi32>
    %mul3A_22 = arith.muli %iota3A, %mul3A_21 : vector<512x512xi32>
    %add3A_23 = arith.addi %mul3A_22, %iota3A_20 : vector<512x512xi32>
    %get3A_24 = arith.constant 0 : index
    %get3A_25 = arith.constant 0 : index
    %get3A_26 = memref.load %arg6[%get3A_24, %get3A_25] : memref<1x1xi32, #tpu.memory_space<smem>>
    %ge3A_27 = vector.broadcast %get3A_26 : i32 to vector<512x512xi32>
    %ge3A_28 = arith.cmpi sge, %add3A_23, %ge3A_27 : vector<512x512xi32>
    %get3A_29 = arith.constant 0 : index
    %get3A_30 = arith.constant 0 : index
    %get3A_31 = memref.load %arg5[%get3A_29, %get3A_30] : memref<1x1xf32, #tpu.memory_space<smem>>
    %get3A_32 = arith.constant 0 : index
    %get3A_33 = arith.constant 0 : index
    %get3A_34 = vector.load %arg3[%get3A_32, %get3A_33] : memref<512x512xf32, #tpu.memory_space<vmem>>, vector<512x512xf32>
    %add3A_35 = vector.broadcast %get3A_31 : f32 to vector<512x512xf32>
    %add3A_36 = arith.addf %add3A_35, %get3A_34 : vector<512x512xf32>
    %bitcast_convert_type3A_37 = tpu.bitcast %add3A_36 : vector<512x512xf32> -> vector<512x512xi32>
    %ge3A_38 = arith.constant 0 : i32
    %ge3A_39 = vector.broadcast %ge3A_38 : i32 to vector<512x512xi32>
    %ge3A_40 = arith.cmpi sge, %bitcast_convert_type3A_37, %ge3A_39 : vector<512x512xi32>
    %xor3A_41 = arith.constant 2147483647 : i32
    %xor3A_42 = vector.broadcast %xor3A_41 : i32 to vector<512x512xi32>
    %xor3A_43 = arith.xori %bitcast_convert_type3A_37, %xor3A_42 : vector<512x512xi32>
    %select_n3A_44 = arith.select %ge3A_40, %bitcast_convert_type3A_37, %xor3A_43 : vector<512x512xi1>, vector<512x512xi32>
    %jit3A_45 = arith.constant -2147483648 : i32
    %broadcast_in_dim3A_46 = vector.broadcast %jit3A_45 : i32 to vector<512x512xi32>
    %select_n3A_47 = arith.select %ge3A_28, %select_n3A_44, %broadcast_in_dim3A_46 : vector<512x512xi1>, vector<512x512xi32>
    %scan3A = arith.constant 26214 : i32
    %scan3A_48 = arith.constant -2147483648 : i32
    %scan3A_49 = arith.constant 0 : i32
    %scan3A_50 = arith.constant 32 : i32
    %scan3A_51 = arith.addi %scan3A_49, %scan3A_50 : i32
    %scan3A_52 = arith.constant 1 : i32
    %scan3A_53 = scf.for %scan3A_113 = %scan3A_49 to %scan3A_51 step %scan3A_52 iter_args(%scan3A_114 = %scan3A_48) -> (i32)  : i32 {
      %sub3A_115 = arith.constant 31 : i32
      %sub3A_116 = arith.subi %sub3A_115, %scan3A_113 : i32
      %shift_left3A = arith.constant 1 : i32
      %shift_left3A_117 = arith.shli %shift_left3A, %sub3A_116 : i32
      %add3A_118 = arith.addi %scan3A_114, %shift_left3A_117 : i32
      %ge3A_119 = vector.broadcast %add3A_118 : i32 to vector<512x512xi32>
      %ge3A_120 = arith.cmpi sge, %select_n3A_19, %ge3A_119 : vector<512x512xi32>
      %convert_element_type3A_121 = arith.extui %ge3A_120 : vector<512x512xi1> to vector<512x512xi32>
      %reduce_sum3A_122 = vector.shape_cast %convert_element_type3A_121 : vector<512x512xi32> to vector<1x512x512xi32>
      %reduce_sum3A_123 = arith.constant dense<0> : vector<1xi32>
      %reduce_sum3A_124 = vector.multi_reduction <add>, %reduce_sum3A_122, %reduce_sum3A_123 [1, 2] : vector<1x512x512xi32> to vector<1xi32>
      %reduce_sum3A_125 = vector.shape_cast %reduce_sum3A_124 : vector<1xi32> to vector<1x1x1xi32>
      %reduce_sum3A_126 = vector.extract %reduce_sum3A_125[0, 0, 0] : i32 from vector<1x1x1xi32>
      %ge3A_127 = vector.broadcast %add3A_118 : i32 to vector<512x512xi32>
      %ge3A_128 = arith.cmpi sge, %select_n3A_47, %ge3A_127 : vector<512x512xi32>
      %convert_element_type3A_129 = arith.extui %ge3A_128 : vector<512x512xi1> to vector<512x512xi32>
      %reduce_sum3A_130 = vector.shape_cast %convert_element_type3A_129 : vector<512x512xi32> to vector<1x512x512xi32>
      %reduce_sum3A_131 = arith.constant dense<0> : vector<1xi32>
      %reduce_sum3A_132 = vector.multi_reduction <add>, %reduce_sum3A_130, %reduce_sum3A_131 [1, 2] : vector<1x512x512xi32> to vector<1xi32>
      %reduce_sum3A_133 = vector.shape_cast %reduce_sum3A_132 : vector<1xi32> to vector<1x1x1xi32>
      %reduce_sum3A_134 = vector.extract %reduce_sum3A_133[0, 0, 0] : i32 from vector<1x1x1xi32>
      %add3A_135 = arith.addi %reduce_sum3A_126, %reduce_sum3A_134 : i32
      %ge3A_136 = arith.cmpi sge, %add3A_135, %scan3A : i32
      %select_n3A_137 = arith.select %ge3A_136, %add3A_118, %scan3A_114 : i32
      scf.yield %select_n3A_137 : i32
    }
    %scan3A_54 = arith.constant 32 : i32
    %gt3A = vector.broadcast %scan3A_53 : i32 to vector<512x512xi32>
    %gt3A_55 = arith.cmpi sgt, %select_n3A_47, %gt3A : vector<512x512xi32>
    %convert_element_type3A = arith.extui %gt3A_55 : vector<512x512xi1> to vector<512x512xi32>
    %reduce_sum3A = vector.shape_cast %convert_element_type3A : vector<512x512xi32> to vector<1x512x512xi32>
    %reduce_sum3A_56 = arith.constant dense<0> : vector<1xi32>
    %reduce_sum3A_57 = vector.multi_reduction <add>, %reduce_sum3A, %reduce_sum3A_56 [1, 2] : vector<1x512x512xi32> to vector<1xi32>
    %reduce_sum3A_58 = vector.shape_cast %reduce_sum3A_57 : vector<1xi32> to vector<1x1x1xi32>
    %reduce_sum3A_59 = vector.extract %reduce_sum3A_58[0, 0, 0] : i32 from vector<1x1x1xi32>
    %gt3A_60 = vector.broadcast %scan3A_53 : i32 to vector<512x512xi32>
    %gt3A_61 = arith.cmpi sgt, %select_n3A_19, %gt3A_60 : vector<512x512xi32>
    %convert_element_type3A_62 = arith.extui %gt3A_61 : vector<512x512xi1> to vector<512x512xi32>
    %reduce_sum3A_63 = vector.shape_cast %convert_element_type3A_62 : vector<512x512xi32> to vector<1x512x512xi32>
    %reduce_sum3A_64 = arith.constant dense<0> : vector<1xi32>
    %reduce_sum3A_65 = vector.multi_reduction <add>, %reduce_sum3A_63, %reduce_sum3A_64 [1, 2] : vector<1x512x512xi32> to vector<1xi32>
    %reduce_sum3A_66 = vector.shape_cast %reduce_sum3A_65 : vector<1xi32> to vector<1x1x1xi32>
    %reduce_sum3A_67 = vector.extract %reduce_sum3A_66[0, 0, 0] : i32 from vector<1x1x1xi32>
    %add3A_68 = arith.addi %reduce_sum3A_67, %reduce_sum3A_59 : i32
    %sub3A = arith.constant 26214 : i32
    %sub3A_69 = arith.subi %sub3A, %add3A_68 : i32
    %convert_element_type3A_70 = arith.sitofp %sub3A_69 : i32 to f32
    %eq3A = vector.broadcast %scan3A_53 : i32 to vector<512x512xi32>
    %eq3A_71 = arith.cmpi eq, %select_n3A_19, %eq3A : vector<512x512xi32>
    %and3A = arith.andi %ne3A_3, %eq3A_71 : vector<512x512xi1>
    %convert_element_type3A_72 = arith.extui %and3A : vector<512x512xi1> to vector<512x512xi32>
    %convert_element_type3A_73 = arith.sitofp %convert_element_type3A_72 : vector<512x512xi32> to vector<512x512xf32>
    %le3A = arith.cmpi sle, %iota3A, %iota3A_20 : vector<512x512xi32>
    %convert_element_type3A_74 = arith.extui %le3A : vector<512x512xi1> to vector<512x512xi32>
    %convert_element_type3A_75 = arith.sitofp %convert_element_type3A_74 : vector<512x512xi32> to vector<512x512xf32>
    %lt3A = arith.cmpi slt, %iota3A_20, %iota3A : vector<512x512xi32>
    %convert_element_type3A_76 = arith.extui %lt3A : vector<512x512xi1> to vector<512x512xi32>
    %convert_element_type3A_77 = arith.sitofp %convert_element_type3A_76 : vector<512x512xi32> to vector<512x512xf32>
    %dot_general3A = arith.constant dense<0.000000e+00> : vector<512x512xf32>
    %dot_general3A_78 = tpu.matmul %convert_element_type3A_73, %convert_element_type3A_75, %dot_general3A {dimension_numbers = #tpu.dot_dimension_numbers<[1], [0], [0], [1], [0, 0, 1, 1], [], []>, transpose_lhs_hint = false} : vector<512x512xf32>, vector<512x512xf32>, vector<512x512xf32> -> vector<512x512xf32>
    %dot_general3A_79 = arith.constant dense<0.000000e+00> : vector<512x512xf32>
    %dot_general3A_80 = tpu.matmul %convert_element_type3A_77, %convert_element_type3A_73, %dot_general3A_79 {dimension_numbers = #tpu.dot_dimension_numbers<[1], [0], [0], [1], [0, 0, 1, 1], [], []>, transpose_lhs_hint = false} : vector<512x512xf32>, vector<512x512xf32>, vector<512x512xf32> -> vector<512x512xf32>
    %reduce_sum3A_81 = arith.constant dense<0.000000e+00> : vector<512xf32>
    %reduce_sum3A_82 = vector.multi_reduction <add>, %dot_general3A_80, %reduce_sum3A_81 [1] : vector<512x512xf32> to vector<512xf32>
    %broadcast_in_dim3A_83 = vector.shape_cast %reduce_sum3A_82 : vector<512xf32> to vector<512x1xf32>
    %add3A_84 = vector.broadcast %broadcast_in_dim3A_83 : vector<512x1xf32> to vector<512x512xf32>
    %add3A_85 = arith.addf %add3A_84, %dot_general3A_78 : vector<512x512xf32>
    %sub3A_86 = arith.subf %add3A_85, %convert_element_type3A_73 : vector<512x512xf32>
    %reduce_sum3A_87 = vector.shape_cast %convert_element_type3A_73 : vector<512x512xf32> to vector<1x512x512xf32>
    %reduce_sum3A_88 = arith.constant dense<0.000000e+00> : vector<1xf32>
    %reduce_sum3A_89 = vector.multi_reduction <add>, %reduce_sum3A_87, %reduce_sum3A_88 [1, 2] : vector<1x512x512xf32> to vector<1xf32>
    %reduce_sum3A_90 = vector.shape_cast %reduce_sum3A_89 : vector<1xf32> to vector<1x1x1xf32>
    %reduce_sum3A_91 = vector.extract %reduce_sum3A_90[0, 0, 0] : f32 from vector<1x1x1xf32>
    %lt3A_92 = vector.broadcast %convert_element_type3A_70 : f32 to vector<512x512xf32>
    %lt3A_93 = arith.cmpf olt, %sub3A_86, %lt3A_92 : vector<512x512xf32>
    %and3A_94 = arith.andi %and3A, %lt3A_93 : vector<512x512xi1>
    %gt3A_95 = arith.constant 0 : i32
    %gt3A_96 = arith.cmpi sgt, %reduce_sum3A_59, %gt3A_95 : i32
    %gt3A_97 = arith.cmpf ogt, %convert_element_type3A_70, %reduce_sum3A_91 : f32
    %or3A = arith.ori %gt3A_96, %gt3A_97 : i1
    %gt3A_98 = vector.broadcast %scan3A_53 : i32 to vector<512x512xi32>
    %gt3A_99 = arith.cmpi sgt, %select_n3A_19, %gt3A_98 : vector<512x512xi32>
    %or3A_100 = arith.ori %gt3A_99, %and3A_94 : vector<512x512xi1>
    %and3A_101 = arith.andi %ne3A_3, %or3A_100 : vector<512x512xi1>
    %jit3A_102 = arith.constant 0.000000e+00 : f32
    %broadcast_in_dim3A_103 = vector.broadcast %jit3A_102 : f32 to vector<512x512xf32>
    %select_n3A_104 = arith.select %and3A_101, %get3A_1, %broadcast_in_dim3A_103 : vector<512x512xi1>, vector<512x512xf32>
    %eq3A_105 = arith.constant 0 : i32
    %eq3A_106 = vector.broadcast %eq3A_105 : i32 to vector<512x512xi32>
    %eq3A_107 = arith.cmpi eq, %add3A_23, %eq3A_106 : vector<512x512xi32>
    %and3A_108 = vector.broadcast %or3A : i1 to vector<512x512xi1>
    %and3A_109 = arith.andi %eq3A_107, %and3A_108 : vector<512x512xi1>
    %select_n3A_110 = arith.select %and3A_109, %get3A_1, %select_n3A_104 : vector<512x512xi1>, vector<512x512xf32>
    %swap3A = arith.constant 0 : index
    %swap3A_111 = arith.constant 0 : index
    %swap3A_112 = vector.load %arg7[%swap3A, %swap3A_111] : memref<512x512xf32, #tpu.memory_space<vmem>>, vector<512x512xf32>
    tpu.vector_store %arg7[%swap3A, %swap3A_111], %select_n3A_110 {strides = array<i32>} : memref<512x512xf32, #tpu.memory_space<vmem>>, vector<512x512xf32>,
    return
  }
}

</mosaic_0001>

<sc_bundles>
// kernel: kernel.8.cloned.1.call-start
scs
__scs_entry_jumppad:
0x0: {  	(pc) =	sbr.rel $0x88, $3  }
0x1: {  	(tag) =	ssettag $0x0;
	lr =	simm.s32 $0x1  }
0x2: {  	[smem:$0x3F9C] =	sst lr;
	_ =	strace $0xD0000000  }
0x3: {  	_ = 	snop  }
0x4: {  	_ = 	snop  }
0x5: {  	_ = 	snop  }
0x6: {  	_ = 	snop  }
0x7: {  	_ = 	snop  }
__scs_overlays_trampoline_lowered:
0x8: {  	[smem:$0x3FAB] =	sst s0  }
0x9: {  	[smem:$0x3FAC] =	sst s1  }
0xa: {  	[smem:$0x3FAD] =	sst s2  }
0xb: {  	[smem:$0x3FAE] =	sst s3  }
0xc: {  	[smem:$0x3FAF] =	sst s4  }
0xd: {  	[smem:$0x3FB0] =	sst s5  }
0xe: {  	[smem:$0x3FB1] =	sst s6  }
0xf: {  	[smem:$0x3FB2] =	sst s7  }
0x10: {  	[smem:$0x3FB3] =	sst s8  }
0x11: {  	[smem:$0x3FB4] =	sst s9;
	s0 =	simm.s32 @!p0 $0x0  }
0x12: {  	s1 =	sld [smem:$0x3F9A];
	s0 =	simm.s32 @p0 $0x1  }
0x13: {  	[smem:$0x3FB5] =	sst s0;
	s0 =	simm.s32 @!p1 $0x0  }
0x14: {  	s2 =	sld [smem:$0x3F99];
	s0 =	simm.s32 @p1 $0x1  }
0x15: {  	[smem:$0x3FB6] =	sst s0;
	s0 =	simm.s32 @!p2 $0x0  }
0x16: {  	s3 =	sld [smem:$0x3FDB];
	s0 =	simm.s32 @p2 $0x1  }
0x17: {  	s4 =	simm.s32 $0x1BF5;
	[smem:$0x3FB8] =	sst s0  }
0x18: {  	s0 =	sld [smem:$0x3F9B];
	_ =	swait.ge [sflag:s4], $0x0  }
0x19: {  	s7 =	sld [smem:$0x3F9C]  }
0x1a: {  	s8 =	sadd.s32 $0xFFFFE003, lr  }
0x1b: {  	s9 =	sadd.s32 $0xFFFFFEF7, lr;
	s5 =	simm.s32 $0xFFFFFFFF;
	p2 =	slt.u32 s8, $0xFFFFF086  }
0x1c: {  	p1 =	slt.u32 s9, $0xF7A;
	s5 =	simm.s32 @!p2 $0x0  }
0x1d: {  	s5 =	simm.s32 @p1 $0x1;
	p0 =	seq.s32 s7, s2  }
0x1e: {  	s7 =	smul.u32 @!p0 $0xF7A, s2;
	p2 =	seq.s32 @!p0 s5, $0x0  }
0x1f: {  	s9 =	smul.u32 $0xF7A, s1;
	s8 =	simm.s32 @!p0 $0x1BF5;
	p2 =	por !p2, p0  }
0x20: {  	[sflag:s8] =	ssyncset.s32 @!p0 $0xFFFFF086;
	s6 =	sadd.s32 @!p0 s3, s7;
	s7 =	simm.s32 @!p0 $0x108  }
0x21: {  	s3 =	sadd.s32 s3, s9;
	s6 =	sadd.s32 @!p0 $0x88, s6;
	s7 =	simm.s32 @p2 $0x1082  }
0x22: {  	[simem:s7], [sflag:s8] =	dma.local @!p0 [hbm:s6], $0xF7A  }
0x23: {  	s9 =	sor.u32 $0xD0000000, s2;
	s6 =	simm.s32 $0x108;
	_ =	swait.ge @!p0 [sflag:s8], $0x0  }
0x24: {  	s3 =	sadd.s32 $0x88, s3;
	s6 =	simm.s32 @!p1 $0x1082;
	[sflag:s4] =	ssyncset.s32 $0xFFFFF086  }
0x25: {  	[simem:s6], [sflag:s4] =	dma.local [hbm:s3], $0xF7A  }
0x26: {  	[smem:$0x3F9C] =	sst s1;
	(tag) =	ssettag s2;
	_ =	strace s9  }
0x27: {  	s1 =	sld [smem:$0x3FAC]  }
0x28: {  	s2 =	sld [smem:$0x3FAD]  }
0x29: {  	s4 =	sld [smem:$0x3FAF]  }
0x2a: {  	p0 =	seq.s32 s5, $0x0;
	s5 =	sld [smem:$0x3FB0]  }
0x2b: {  	s6 =	sld [smem:$0x3FB1]  }
0x2c: {  	s7 =	sld [smem:$0x3FB2]  }
0x2d: {  	s3 =	simm.s32 $0x108;
	s8 =	sld [smem:$0x3FB3]  }
0x2e: {  	s3 =	simm.s32 @!p0 $0x1082;
	s9 =	sld [smem:$0x3FB4]  }
0x2f: {  	lr =	sadd.s32 s0, s3;
	s0 =	sld [smem:$0x3FAB]  }
0x30: {  	s3 =	sld [smem:$0x3FAE]  }
0x31: {  	[smem:$0x3FB7] =	sst s10  }
0x32: {  	s10 =	sld [smem:$0x3FB5];
	_ =	sdelay $0x3  }
0x33: {  	p0 =	seq.s32 s10, $0x1;
	s10 =	sld [smem:$0x3FB7];
	_ =	sdelay $0x3  }
0x34: {  	[smem:$0x3FB7] =	sst s10  }
0x35: {  	s10 =	sld [smem:$0x3FB6];
	_ =	sdelay $0x3  }
0x36: {  	p1 =	seq.s32 s10, $0x1;
	s10 =	sld [smem:$0x3FB7];
	_ =	sdelay $0x3  }
0x37: {  	[smem:$0x3FB7] =	sst s10  }
0x38: {  	s10 =	sld [smem:$0x3FB8]  }
0x39: {  	_ = 	snop;
	(pc) =	sbr.ind lr, $3  }
0x3a: {  	_ = 	snop  }
0x3b: {  	_ = 	snop  }
0x3c: {  	p2 =	seq.s32 s10, $0x1;
	s10 =	sld [smem:$0x3FB7]  }
0x3d: {  	_ =	shalt  }
0x3e: {  	_ =	shalt  }
0x3f: {  	_ =	shalt  }
0x40: {  	_ =	shalt  }
0x41: {  	_ =	shalt  }
0x42: {  	_ =	shalt  }
0x43: {  	_ =	shalt  }
0x44: {  	_ =	shalt  }
0x45: {  	_ =	shalt  }
0x46: {  	_ =	shalt  }
0x47: {  	_ =	shalt  }
0x48: {  	_ =	shalt  }
0x49: {  	_ =	shalt  }
0x4a: {  	_ =	shalt  }
0x4b: {  	_ =	shalt  }
0x4c: {  	_ =	shalt  }
0x4d: {  	_ =	shalt  }
0x4e: {  	_ =	shalt  }
0x4f: {  	_ =	shalt  }
0x50: {  	_ =	shalt  }
0x51: {  	_ =	shalt  }
0x52: {  	_ =	shalt  }
0x53: {  	_ =	shalt  }
0x54: {  	_ =	shalt  }
0x55: {  	_ =	shalt  }
0x56: {  	_ =	shalt  }
0x57: {  	_ =	shalt  }
0x58: {  	_ =	shalt  }
0x59: {  	_ =	shalt  }
0x5a: {  	_ =	shalt  }
0x5b: {  	_ =	shalt  }
0x5c: {  	_ =	shalt  }
0x5d: {  	_ =	shalt  }
0x5e: {  	_ =	shalt  }
0x5f: {  	_ =	shalt  }
0x60: {  	_ =	shalt  }
0x61: {  	_ =	shalt  }
0x62: {  	_ =	shalt  }
0x63: {  	_ =	shalt  }
0x64: {  	_ =	shalt  }
0x65: {  	_ =	shalt  }
0x66: {  	_ =	shalt  }
0x67: {  	_ =	shalt  }
0x68: {  	_ =	shalt  }
0x69: {  	_ =	shalt  }
0x6a: {  	_ =	shalt  }
0x6b: {  	_ =	shalt  }
0x6c: {  	_ =	shalt  }
0x6d: {  	_ =	shalt  }
0x6e: {  	_ =	shalt  }
0x6f: {  	_ =	shalt  }
0x70: {  	_ =	shalt  }
0x71: {  	_ =	shalt  }
0x72: {  	_ =	shalt  }
0x73: {  	_ =	shalt  }
0x74: {  	_ =	shalt  }
0x75: {  	_ =	shalt  }
0x76: {  	_ =	shalt  }
0x77: {  	_ =	shalt  }
0x78: {  	_ =	shalt  }
0x79: {  	_ =	shalt  }
0x7a: {  	_ =	shalt  }
0x7b: {  	_ =	shalt  }
0x7c: {  	_ =	shalt  }
0x7d: {  	_ =	shalt  }
0x7e: {  	_ =	shalt  }
0x7f: {  	_ =	shalt  }
0x80: {  	_ =	shalt  }
0x81: {  	_ =	shalt  }
0x82: {  	_ =	shalt  }
0x83: {  	_ =	shalt  }
0x84: {  	_ =	shalt  }
0x85: {  	_ =	shalt  }
0x86: {  	_ =	shalt  }
0x87: {  	_ =	shalt  }
.Lfunc_end0:
.L_simem_size_0:
called_computation_lowered:
.L_overlay_start_0:
0x88: {  	s2 =	sld [smem:$0x3FD9]  }
0x89: {  	s3 =	sld [smem:$0x3FFE];
	_ =	sdelay $0x1  }
0x8a: {  	s1 =	srdreg.scid  }
0x8b: {  	s0 =	sand.u32 $0x1, s1  }
0x8c: {  	s17 =	sshll.u32 s0, $0xA;
	s2 =	sadd.s32 s3, s2  }
0x8d: {  	s2 =	sadd.s32 s2, s17  }
0x8e: {  	[smem:$0x3FC3] =	sst s2  }
0x8f: {  	_ = 	snop  }
0x90: {  	s2 =	sld [smem:$0x3FD0];
	(tm) =	ssettm $0x1  }
0x91: {  	s18 =	sld [smem:$0x3FFB];
	_ =	sdelay $0x3  }
0x92: {  	_ =	strace s18  }
0x93: {  	s3 =	sld [smem:$0x3FFC];
	_ =	sdelay $0x3  }
0x94: {  	_ =	strace s3  }
0x95: {  	s3 =	sld [smem:$0x3FFD];
	_ =	sdelay $0x3  }
0x96: {  	_ =	strace s3  }
0x97: {  	_ =	strace $0x8FFFFFFF  }
0x98: {  	s19 =	sld [smem:$0x3FDB];
	_ =	sdelay $0x1  }
0x99: {  	s4 =	simm.s32 $_scs_section_size  }
0x9a: {  	s5 =	simm.s32 $_size__tile_overlayer_lowered;
	s6 =	simm.s32 $_tile_overlayer_lowered  }
0x9b: {  	s22 =	simm.s32 $0x1BFF;
	s21 =	sshll.u32 s6, $0x1;
	s3 =	sadd.s32 s4, s19  }
0x9c: {  	s7 =	simm.s32 $0x0;
	s20 =	sshll.u32 s5, $0x1;
	s5 =	sadd.s32 s21, s3  }
0x9d: {  	[timem:s7], [sflag:s22] =	dma.local [hbm:s5], s20  }
0x9e: {  	_ =	swait.ge [sflag:s22], s20  }
0x9f: {  	s4 =	ssub.s32 $0x0, s20;
	[sflag:s22] =	ssyncset.done $0x0  }
0xa0: {  	[sflag:s22] =	ssyncadd.s32 s4;
	_ =	sdelay $0x1  }
0xa1: {  	s23 =	simm.s32 $0x1B8B  }
0xa2: {  	_ =	swait.ge [sflag:s23], $0x1  }
0xa3: {  	[sflag:s23] =	ssyncset.done $0x0  }
0xa4: {  	s25 =	simm.s32 $0x1B8E;
	s24 =	sld [smem:$0x3FFE];
	[sflag:s23] =	ssyncadd.s32 $0xFFFFFFFF  }
0xa5: {  	s26 =	simm.s32 $execute0_lowered;
	[smem:$0x3FD2] =	sst s25  }
0xa6: {  	s5 =	sshll.u32 s26, $0x1;
	_ =	strace $0x80000046;
	[dreg:$0x1] =	wrdreg $0xFFFFFFFF  }
0xa7: {  	s28 =	simm.s32 $_size_execute0_lowered;
	s3 =	sadd.s32 s3, s5;
	[dreg:$0x0] =	wrdreg $0x0  }
0xa8: {  	s5 =	sshll.u32 s28, $0x1;
	[dreg:$0x2] =	wrdreg s3  }
0xa9: {  	[dreg:$0x3] =	wrdreg s5  }
0xaa: {  	[dreg:$0x4] =	wrdreg $0xC0  }
0xab: {  	_ =	task [dreg:s7], $0x5FFFF  }
0xac: {  	[dreg:$0x1] =	wrdreg $0xFFFFFFFF  }
0xad: {  	[dreg:$0x0] =	wrdreg $0x60  }
0xae: {  	[dreg:$0x2] =	wrdreg s2  }
0xaf: {  	[dreg:$0x3] =	wrdreg s24  }
0xb0: {  	[dreg:$0x4] =	wrdreg $0x9  }
0xb1: {  	_ =	task.clear_ibuf [dreg:s7], $0x5FFFF;
	_ =	strace $0x90000046  }
0xb2: {  	s29 =	simm.s32 $0x9;
	_ =	strace $0x80000048  }
0xb3: {  	_ =	swait.ge [sflag:s29], $0x1  }
0xb4: {  	[sflag:s29] =	ssyncadd.s32 $0xFFFFFFFF  }
0xb5: {  	_ =	strace $0x90000048  }
0xb6: {  	_ =	sfence  }
0xb7: {  	s30 =	sld [smem:$0x0];
	_ =	sdelay $0x2  }
0xb8: {  	s31 =	sshll.u32 s1, $0xD;
	s1 =	sshrl.u32 s1, $0x2  }
0xb9: {  	s3 =	sand.u32 $0x4000, s31;
	s1 =	sadd.s32 s1, s30  }
0xba: {  	s0 =	sor.u32 s3, s0;
	s1 =	sshll.u32 s1, $0x11  }
0xbb: {  	s0 =	sor.u32 s1, s0  }
0xbc: {  	s0 =	sadd.s32 $0x8F2B, s0  }
0xbd: {  	[sflag:s0] =	ssyncadd.remote.s32 $0x1  }
0xbe: {  	_ =	sfence.sel $0xFFFF  }
0xbf: {  	[dreg:$0x0] =	wrdreg $0xFFFFFFFF;
	(pc) =	sbr.abs _section_cstart, $3  }
0xc0: {  	[dreg:$0x1] =	wrdreg $0xFFFFFFFF  }
0xc1: {  	_ =	task.clear_ibuf [dreg:s7], $0x2FFFF;
	_ =	strace $0x9FFFFFFF  }
0xc2: {  	(tm) =	ssettm $0x7FFFFFFF  }
0xc3: {  	_ =	shalt  }
tec
execute0_lowered:
.L_overlay_start_1:
0x0: {  	(tag) =	ssettag $0x1  }
0x1: {  	s3 =	rddreg [dreg:$0x0];
	s2 =	srdreg.scid  }
0x2: {  	s0 =	rddreg [dreg:$0x1];
	s4 =	sand.u32 $0x1, s2;
	s2 =	simm.s32 $0x0  }
0x3: {  	s16 =	simm.s32 $0x2080;
	[smem:$0x7FF] =	sst s2  }
0x4: {  	s17 =	simm.s32 $0x100;
	_ =	strace $0x80000047;
	[dreg:$0x5] =	wrdreg s16  }
0x5: {  	s18 =	simm.s32 $0x2100;
	[dreg:$0x6] =	wrdreg s17  }
0x6: {  	s19 =	simm.s32 $0x180;
	[dreg:$0x7] =	wrdreg s18  }
0x7: {  	s20 =	simm.s32 $0x2180;
	[dreg:$0x8] =	wrdreg s19  }
0x8: {  	s21 =	simm.s32 $0x200;
	[dreg:$0x9] =	wrdreg s20  }
0x9: {  	s22 =	simm.s32 $0x2200;
	[dreg:$0xa] =	wrdreg s21  }
0xa: {  	s23 =	simm.s32 $0x280;
	[dreg:$0xb] =	wrdreg s22  }
0xb: {  	s24 =	simm.s32 $0x2280;
	[dreg:$0xc] =	wrdreg s23  }
0xc: {  	s25 =	simm.s32 $0x300;
	[dreg:$0xd] =	wrdreg s24  }
0xd: {  	s1 =	stileid.u32;
	s26 =	simm.s32 $0x2300;
	[dreg:$0xe] =	wrdreg s25  }
0xe: {  	s5 =	sshll.u32 s1, $0xB;
	s1 =	simm.s32 $0x380;
	[dreg:$0xf] =	wrdreg s26  }
0xf: {  	s7 =	simm.s32 $0x2400;
	[dreg:$0x10] =	wrdreg s1  }
0x10: {  	s8 =	simm.s32 $0x480;
	[dreg:$0x13] =	wrdreg s7  }
0x11: {  	s9 =	simm.s32 $0x2480;
	[dreg:$0x14] =	wrdreg s8  }
0x12: {  	s10 =	simm.s32 $0x500;
	[dreg:$0x15] =	wrdreg s9  }
0x13: {  	s11 =	simm.s32 $0x2500;
	[dreg:$0x16] =	wrdreg s10  }
0x14: {  	s12 =	simm.s32 $0x580;
	[dreg:$0x17] =	wrdreg s11  }
0x15: {  	s13 =	simm.s32 $0x2580;
	[dreg:$0x18] =	wrdreg s12  }
0x16: {  	s14 =	simm.s32 $0x600;
	[dreg:$0x19] =	wrdreg s13  }
0x17: {  	[dreg:$0x1a] =	wrdreg s14;
	s16 =	simm.s32 $0x680  }
0x18: {  	s17 =	simm.s32 $0x2680;
	[dreg:$0x1c] =	wrdreg s16  }
0x19: {  	s18 =	simm.s32 $0x700;
	[dreg:$0x1d] =	wrdreg s17  }
0x1a: {  	s19 =	simm.s32 $0x2700;
	[dreg:$0x1e] =	wrdreg s18  }
0x1b: {  	s20 =	simm.s32 $0x780;
	[dreg:$0x1f] =	wrdreg s19  }
0x1c: {  	s21 =	simm.s32 $0x2780;
	[smem:$0x7B3] =	sst s20  }
0x1d: {  	s22 =	simm.s32 $0x800;
	[smem:$0x7B4] =	sst s21  }
0x1e: {  	s23 =	simm.s32 $0x2800;
	[smem:$0x7B5] =	sst s22  }
0x1f: {  	s24 =	simm.s32 $0x880;
	[smem:$0x7B6] =	sst s23  }
0x20: {  	s25 =	simm.s32 $0x2880;
	[smem:$0x7B7] =	sst s24  }
0x21: {  	s26 =	simm.s32 $0x900;
	[smem:$0x7B8] =	sst s25  }
0x22: {  	s1 =	simm.s32 $0x2900;
	[smem:$0x7B9] =	sst s26  }
0x23: {  	s7 =	simm.s32 $0xA00;
	[smem:$0x7BA] =	sst s1  }
0x24: {  	s8 =	simm.s32 $0x2A00;
	[smem:$0x7BD] =	sst s7  }
0x25: {  	s9 =	simm.s32 $0xA80;
	[smem:$0x7BE] =	sst s8  }
0x26: {  	s10 =	simm.s32 $0x2A80;
	[smem:$0x7BF] =	sst s9  }
0x27: {  	s11 =	simm.s32 $0xB00;
	[smem:$0x7C0] =	sst s10  }
0x28: {  	s12 =	simm.s32 $0x2B00;
	[smem:$0x7C1] =	sst s11  }
0x29: {  	s6 =	sshll.u32 s4, $0xA;
	s13 =	simm.s32 $0xB80;
	[smem:$0x7C2] =	sst s12  }
0x2a: {  	s5 =	sor.u32 s6, s5;
	s14 =	simm.s32 $0x2B80;
	[smem:$0x7C3] =	sst s13  }
0x2b: {  	s3 =	sadd.s32 s3, s5;
	[smem:$0x7C4] =	sst s14  }
0x2c: {  	s6 =	sadd.s32 s5, s0;
	s5 =	simm.s32 $0x2380;
	[dreg:$0x3] =	wrdreg s3  }
0x2d: {  	s16 =	simm.s32 $0x2C00;
	[dreg:$0x11] =	wrdreg s5  }
0x2e: {  	s17 =	simm.s32 $0xC80;
	[smem:$0x7C6] =	sst s16  }
0x2f: {  	s18 =	simm.s32 $0x2C80;
	[smem:$0x7C7] =	sst s17  }
0x30: {  	s19 =	simm.s32 $0xD00;
	[smem:$0x7C8] =	sst s18  }
0x31: {  	s20 =	simm.s32 $0x2D00;
	[smem:$0x7C9] =	sst s19  }
0x32: {  	s21 =	simm.s32 $0xD80;
	[smem:$0x7CA] =	sst s20  }
0x33: {  	s22 =	simm.s32 $0x2D80;
	[smem:$0x7CB] =	sst s21  }
0x34: {  	s23 =	simm.s32 $0xE00;
	[smem:$0x7CC] =	sst s22  }
0x35: {  	s24 =	simm.s32 $0x2E00;
	[smem:$0x7CD] =	sst s23  }
0x36: {  	s25 =	simm.s32 $0xE80;
	[smem:$0x7CE] =	sst s24  }
0x37: {  	s26 =	simm.s32 $0x2E80;
	[smem:$0x7CF] =	sst s25  }
0x38: {  	s1 =	simm.s32 $0xF00;
	[smem:$0x7D0] =	sst s26  }
0x39: {  	s7 =	simm.s32 $0x2F80;
	[smem:$0x7D1] =	sst s1  }
0x3a: {  	s8 =	simm.s32 $0x1000;
	[smem:$0x7D4] =	sst s7  }
0x3b: {  	s9 =	simm.s32 $0x3000;
	[smem:$0x7D5] =	sst s8  }
0x3c: {  	s10 =	simm.s32 $0x1080;
	[smem:$0x7D6] =	sst s9  }
0x3d: {  	s11 =	simm.s32 $0x3080;
	[smem:$0x7D7] =	sst s10  }
0x3e: {  	s12 =	simm.s32 $0x1100;
	[smem:$0x7D8] =	sst s11  }
0x3f: {  	s13 =	simm.s32 $0x3100;
	[smem:$0x7D9] =	sst s12  }
0x40: {  	s14 =	simm.s32 $0x1180;
	[smem:$0x7DA] =	sst s13  }
0x41: {  	s15 =	sadd.s32 $0x9800, s6;
	[smem:$0x7DB] =	sst s14  }
0x42: {  	s6 =	simm.s32 $0x400;
	[dreg:$0x4] =	wrdreg s15  }
0x43: {  	s5 =	simm.s32 $0x980;
	[dreg:$0x12] =	wrdreg s6  }
0x44: {  	s16 =	simm.s32 $0x1200;
	[smem:$0x7BB] =	sst s5  }
0x45: {  	s17 =	simm.s32 $0x3200;
	[smem:$0x7DD] =	sst s16  }
0x46: {  	s18 =	simm.s32 $0x1280;
	[smem:$0x7DE] =	sst s17  }
0x47: {  	s19 =	simm.s32 $0x3280;
	[smem:$0x7DF] =	sst s18  }
0x48: {  	s20 =	simm.s32 $0x1300;
	[smem:$0x7E0] =	sst s19  }
0x49: {  	s21 =	simm.s32 $0x3300;
	[smem:$0x7E1] =	sst s20  }
0x4a: {  	s22 =	simm.s32 $0x1380;
	[smem:$0x7E2] =	sst s21  }
0x4b: {  	s23 =	simm.s32 $0x3380;
	[smem:$0x7E3] =	sst s22  }
0x4c: {  	s24 =	simm.s32 $0x1400;
	[smem:$0x7E4] =	sst s23  }
0x4d: {  	s25 =	simm.s32 $0x3400;
	[smem:$0x7E5] =	sst s24  }
0x4e: {  	s26 =	simm.s32 $0x1480;
	[smem:$0x7E6] =	sst s25  }
0x4f: {  	s1 =	simm.s32 $0x3480;
	[smem:$0x7E7] =	sst s26  }
0x50: {  	s7 =	simm.s32 $0x1580;
	[smem:$0x7E8] =	sst s1  }
0x51: {  	s8 =	simm.s32 $0x3580;
	[smem:$0x7EB] =	sst s7  }
0x52: {  	s9 =	simm.s32 $0x1600;
	[smem:$0x7EC] =	sst s8  }
0x53: {  	s10 =	simm.s32 $0x3600;
	[smem:$0x7ED] =	sst s9  }
0x54: {  	s11 =	simm.s32 $0x1680;
	[smem:$0x7EE] =	sst s10  }
0x55: {  	s12 =	simm.s32 $0x3680;
	[smem:$0x7EF] =	sst s11  }
0x56: {  	s28 =	simm.s32 $0x3E80;
	s13 =	simm.s32 $0x1700;
	[smem:$0x7F0] =	sst s12  }
0x57: {  	s29 =	simm.s32 $0x1F00;
	s14 =	simm.s32 $0x3700;
	[smem:$0x7F1] =	sst s13  }
0x58: {  	s30 =	simm.s32 $0x3F00;
	s15 =	simm.s32 $0x2600;
	[smem:$0x7F2] =	sst s14  }
0x59: {  	s31 =	simm.s32 $0x1F80;
	s6 =	simm.s32 $0x2980;
	[dreg:$0x1b] =	wrdreg s15  }
0x5a: {  	s4 =	ssub.s32 $0x2, s4;
	s5 =	simm.s32 $0x2F00;
	[smem:$0x7BC] =	sst s6  }
0x5b: {  	s3 =	sadd.s32 $0x1200, s0;
	s16 =	simm.s32 $0x3780;
	[smem:$0x7D2] =	sst s5  }
0x5c: {  	s0 =	simm.s32 $0x3F80;
	s17 =	simm.s32 $0x1800;
	[smem:$0x7F4] =	sst s16  }
0x5d: {  	s18 =	simm.s32 $0x3800;
	s19 =	sshrl.u32 s4, $0x1;
	[smem:$0x7F5] =	sst s17  }
0x5e: {  	s20 =	simm.s32 $0x1880;
	s21 =	simm.s32 $0x3880;
	[smem:$0x7F6] =	sst s18  }
0x5f: {  	s22 =	simm.s32 $0x1900;
	s23 =	simm.s32 $0x3900;
	[smem:$0x7F7] =	sst s20  }
0x60: {  	s24 =	simm.s32 $0x1980;
	s7 =	simm.s32 $0x2000;
	[smem:$0x7F8] =	sst s21  }
0x61: {  	s25 =	simm.s32 $0x3980;
	s8 =	simm.s32 $0x1;
	[smem:$0x7F9] =	sst s22  }
0x62: {  	s26 =	simm.s32 $0x1A00;
	s12 =	simm.s32 $0x1B00;
	[smem:$0x7FA] =	sst s23  }
0x63: {  	s13 =	simm.s32 $0x3B00;
	s14 =	simm.s32 $0x1B80;
	[smem:$0x7FB] =	sst s24  }
0x64: {  	s15 =	simm.s32 $0xC00;
	s6 =	simm.s32 $0xF80;
	[smem:$0x7FC] =	sst s25  }
0x65: {  	s5 =	simm.s32 $0x1500;
	s4 =	ssub.s32 s4, s19;
	[smem:$0x7FD] =	sst s26  }
0x66: {  	s16 =	simm.s32 $0x1C00;
	s17 =	simm.s32 $0x3C00;
	s18 =	simm.s32 $0x1C80  }
0x67: {  	s19 =	simm.s32 $0x3C80;
	s20 =	simm.s32 $0x1D00;
	s21 =	simm.s32 $0x3D00  }
0x68: {  	s22 =	simm.s32 $0x1D80;
	s23 =	simm.s32 $0x3D80;
	[smem:$0x7C5] =	sst s15  }
0x69: {  	s24 =	simm.s32 $0x1E00;
	s25 =	simm.s32 $0x3E00;
	[smem:$0x7D3] =	sst s6  }
0x6a: {  	s26 =	simm.s32 $0x1E80;
	s15 =	simm.s32 $0x3180;
	[smem:$0x7E9] =	sst s5  }
0x6b: {  	s6 =	simm.s32 $0x3500;
	s4 =	smax.u32 s4, $0x1;
	[smem:$0x7DC] =	sst s15  }
0x6c: {  	s5 =	simm.s32 $0x2;
	[smem:$0x7EA] =	sst s6;
	s15 =	simm.s32 $0x1780  }
0x6d: {  	s6 =	simm.s32 $0x80;
	[smem:$0x7F3] =	sst s15;
	s15 =	simm.s32 $0x3B80  }
.LBB2_1:
0x6e: {  	s1 =	rddreg [dreg:$0x3]  }
0x6f: {  	[tilespmem:s2], [sflag:$0x2] =	stream.linear.gather [hbm4b:s1+s2], $0x2000, $0x38;
	[tilespmem:$0x4000] =	vst v63  }
0x70: {  	_ =	swait.ge [sflag:s5], $0x2000  }
0x71: {  	s11 =	rddreg [dreg:$0x5]  }
0x72: {  	[sflag:s5] =	ssyncset.done $0x0;
	s1 =	rddreg [dreg:$0x6]  }
0x73: {  	s9 =	rddreg [dreg:$0x7];
	[sflag:s5] =	ssyncadd.s32 $0xFFFFE000  }
0x74: {  	[tilespmem:s7], [sflag:$0x1] =	stream.indirect.gather [hbm4b:s3+s6], $0x1, s2, s6, $0xb8;
	[tilespmem:$0x4000] =	vst v63  }
0x75: {  	s10 =	rddreg [dreg:$0x8]  }
0x76: {  	[tilespmem:s11], [sflag:$0x1] =	stream.indirect.gather [hbm4b:s3+s6], $0x1, s6, s6, $0xb8;
	[tilespmem:$0x4000] =	vst v63  }
0x77: {  	s11 =	rddreg [dreg:$0x9]  }
0x78: {  	[tilespmem:s9], [sflag:$0x1] =	stream.indirect.gather [hbm4b:s3+s6], $0x1, s1, s6, $0xb8;
	[tilespmem:$0x4000] =	vst v63  }
0x79: {  	s1 =	rddreg [dreg:$0xa]  }
0x7a: {  	s9 =	rddreg [dreg:$0xb]  }
0x7b: {  	[tilespmem:s11], [sflag:$0x1] =	stream.indirect.gather [hbm4b:s3+s6], $0x1, s10, s6, $0xb8;
	[tilespmem:$0x4000] =	vst v63  }
0x7c: {  	s10 =	rddreg [dreg:$0xc]  }
0x7d: {  	s11 =	rddreg [dreg:$0xd]  }
0x7e: {  	[tilespmem:s9], [sflag:$0x1] =	stream.indirect.gather [hbm4b:s3+s6], $0x1, s1, s6, $0xb8;
	[tilespmem:$0x4000] =	vst v63  }
0x7f: {  	s1 =	rddreg [dreg:$0xe]  }
0x80: {  	s9 =	rddreg [dreg:$0xf]  }
0x81: {  	[tilespmem:s11], [sflag:$0x1] =	stream.indirect.gather [hbm4b:s3+s6], $0x1, s10, s6, $0xb8;
	[tilespmem:$0x4000] =	vst v63  }
0x82: {  	s10 =	rddreg [dreg:$0x10]  }
0x83: {  	s11 =	rddreg [dreg:$0x11]  }
0x84: {  	[tilespmem:s9], [sflag:$0x1] =	stream.indirect.gather [hbm4b:s3+s6], $0x1, s1, s6, $0xb8;
	[tilespmem:$0x4000] =	vst v63  }
0x85: {  	s1 =	rddreg [dreg:$0x12]  }
0x86: {  	s9 =	rddreg [dreg:$0x13]  }
0x87: {  	[tilespmem:s11], [sflag:$0x1] =	stream.indirect.gather [hbm4b:s3+s6], $0x1, s10, s6, $0xb8;
	[tilespmem:$0x4000] =	vst v63  }
0x88: {  	s10 =	rddreg [dreg:$0x14]  }
0x89: {  	s11 =	rddreg [dreg:$0x15]  }
0x8a: {  	[tilespmem:s9], [sflag:$0x1] =	stream.indirect.gather [hbm4b:s3+s6], $0x1, s1, s6, $0xb8;
	[tilespmem:$0x4000] =	vst v63  }
0x8b: {  	s1 =	rddreg [dreg:$0x16]  }
0x8c: {  	s9 =	rddreg [dreg:$0x17]  }
0x8d: {  	[tilespmem:s11], [sflag:$0x1] =	stream.indirect.gather [hbm4b:s3+s6], $0x1, s10, s6, $0xb8;
	[tilespmem:$0x4000] =	vst v63  }
0x8e: {  	s10 =	rddreg [dreg:$0x18]  }
0x8f: {  	s11 =	rddreg [dreg:$0x19]  }
0x90: {  	[tilespmem:s9], [sflag:$0x1] =	stream.indirect.gather [hbm4b:s3+s6], $0x1, s1, s6, $0xb8;
	[tilespmem:$0x4000] =	vst v63  }
0x91: {  	s1 =	rddreg [dreg:$0x1a]  }
0x92: {  	s9 =	rddreg [dreg:$0x1b]  }
0x93: {  	[tilespmem:s11], [sflag:$0x1] =	stream.indirect.gather [hbm4b:s3+s6], $0x1, s10, s6, $0xb8;
	[tilespmem:$0x4000] =	vst v63  }
0x94: {  	s10 =	rddreg [dreg:$0x1c]  }
0x95: {  	s11 =	rddreg [dreg:$0x1d]  }
0x96: {  	[tilespmem:s9], [sflag:$0x1] =	stream.indirect.gather [hbm4b:s3+s6], $0x1, s1, s6, $0xb8;
	[tilespmem:$0x4000] =	vst v63  }
0x97: {  	s1 =	rddreg [dreg:$0x1e]  }
0x98: {  	s9 =	rddreg [dreg:$0x1f]  }
0x99: {  	[tilespmem:s11], [sflag:$0x1] =	stream.indirect.gather [hbm4b:s3+s6], $0x1, s10, s6, $0xb8;
	[tilespmem:$0x4000] =	vst v63  }
0x9a: {  	s10 =	sld [smem:$0x7B3]  }
0x9b: {  	s11 =	sld [smem:$0x7B4]  }
0x9c: {  	[tilespmem:s9], [sflag:$0x1] =	stream.indirect.gather [hbm4b:s3+s6], $0x1, s1, s6, $0xb8;
	[tilespmem:$0x4000] =	vst v63  }
0x9d: {  	_ = 	snop  }
0x9e: {  	[tilespmem:s11], [sflag:$0x1] =	stream.indirect.gather [hbm4b:s3+s6], $0x1, s10, s6, $0xb8;
	[tilespmem:$0x4000] =	vst v63  }
0x9f: {  	_ =	swait.ge [sflag:s8], $0x80  }
0xa0: {  	[sflag:s8] =	ssyncset.done $0x0  }
0xa1: {  	[sflag:s8] =	ssyncadd.s32 $0xFFFFFF80  }
0xa2: {  	_ =	swait.ge [sflag:s8], $0x80  }
0xa3: {  	[sflag:s8] =	ssyncset.done $0x0  }
0xa4: {  	[sflag:s8] =	ssyncadd.s32 $0xFFFFFF80  }
0xa5: {  	_ =	swait.ge [sflag:s8], $0x80  }
0xa6: {  	[sflag:s8] =	ssyncset.done $0x0  }
0xa7: {  	[sflag:s8] =	ssyncadd.s32 $0xFFFFFF80  }
0xa8: {  	_ =	swait.ge [sflag:s8], $0x80  }
0xa9: {  	[sflag:s8] =	ssyncset.done $0x0  }
0xaa: {  	[sflag:s8] =	ssyncadd.s32 $0xFFFFFF80  }
0xab: {  	_ =	swait.ge [sflag:s8], $0x80  }
0xac: {  	[sflag:s8] =	ssyncset.done $0x0  }
0xad: {  	[sflag:s8] =	ssyncadd.s32 $0xFFFFFF80  }
0xae: {  	_ =	swait.ge [sflag:s8], $0x80  }
0xaf: {  	[sflag:s8] =	ssyncset.done $0x0  }
0xb0: {  	[sflag:s8] =	ssyncadd.s32 $0xFFFFFF80  }
0xb1: {  	_ =	swait.ge [sflag:s8], $0x80  }
0xb2: {  	[sflag:s8] =	ssyncset.done $0x0  }
0xb3: {  	[sflag:s8] =	ssyncadd.s32 $0xFFFFFF80  }
0xb4: {  	_ =	swait.ge [sflag:s8], $0x80  }
0xb5: {  	[sflag:s8] =	ssyncset.done $0x0  }
0xb6: {  	[sflag:s8] =	ssyncadd.s32 $0xFFFFFF80  }
0xb7: {  	_ =	swait.ge [sflag:s8], $0x80  }
0xb8: {  	[sflag:s8] =	ssyncset.done $0x0  }
0xb9: {  	[sflag:s8] =	ssyncadd.s32 $0xFFFFFF80  }
0xba: {  	_ =	swait.ge [sflag:s8], $0x80  }
0xbb: {  	[sflag:s8] =	ssyncset.done $0x0  }
0xbc: {  	[sflag:s8] =	ssyncadd.s32 $0xFFFFFF80  }
0xbd: {  	_ =	swait.ge [sflag:s8], $0x80  }
0xbe: {  	[sflag:s8] =	ssyncset.done $0x0  }
0xbf: {  	[sflag:s8] =	ssyncadd.s32 $0xFFFFFF80  }
0xc0: {  	_ =	swait.ge [sflag:s8], $0x80  }
0xc1: {  	[sflag:s8] =	ssyncset.done $0x0  }
0xc2: {  	[sflag:s8] =	ssyncadd.s32 $0xFFFFFF80  }
0xc3: {  	_ =	swait.ge [sflag:s8], $0x80  }
0xc4: {  	[sflag:s8] =	ssyncset.done $0x0  }
0xc5: {  	[sflag:s8] =	ssyncadd.s32 $0xFFFFFF80  }
0xc6: {  	_ =	swait.ge [sflag:s8], $0x80  }
0xc7: {  	[sflag:s8] =	ssyncset.done $0x0  }
0xc8: {  	[sflag:s8] =	ssyncadd.s32 $0xFFFFFF80  }
0xc9: {  	_ =	swait.ge [sflag:s8], $0x80  }
0xca: {  	[sflag:s8] =	ssyncset.done $0x0  }
0xcb: {  	[sflag:s8] =	ssyncadd.s32 $0xFFFFFF80  }
0xcc: {  	_ =	swait.ge [sflag:s8], $0x80  }
0xcd: {  	s1 =	sld [smem:$0x7B5]  }
0xce: {  	s9 =	sld [smem:$0x7B6]  }
0xcf: {  	[sflag:s8] =	ssyncset.done $0x0;
	s10 =	sld [smem:$0x7B7]  }
0xd0: {  	s11 =	sld [smem:$0x7B8];
	[sflag:s8] =	ssyncadd.s32 $0xFFFFFF80  }
0xd1: {  	[tilespmem:s9], [sflag:$0x1] =	stream.indirect.gather [hbm4b:s3+s6], $0x1, s1, s6, $0xb8;
	[tilespmem:$0x4000] =	vst v63  }
0xd2: {  	s1 =	sld [smem:$0x7B9]  }
0xd3: {  	s9 =	sld [smem:$0x7BA]  }
0xd4: {  	[tilespmem:s11], [sflag:$0x1] =	stream.indirect.gather [hbm4b:s3+s6], $0x1, s10, s6, $0xb8;
	[tilespmem:$0x4000] =	vst v63  }
0xd5: {  	s10 =	sld [smem:$0x7BB]  }
0xd6: {  	s11 =	sld [smem:$0x7BC]  }
0xd7: {  	[tilespmem:s9], [sflag:$0x1] =	stream.indirect.gather [hbm4b:s3+s6], $0x1, s1, s6, $0xb8;
	[tilespmem:$0x4000] =	vst v63  }
0xd8: {  	s1 =	sld [smem:$0x7BD]  }
0xd9: {  	s9 =	sld [smem:$0x7BE]  }
0xda: {  	[tilespmem:s11], [sflag:$0x1] =	stream.indirect.gather [hbm4b:s3+s6], $0x1, s10, s6, $0xb8;
	[tilespmem:$0x4000] =	vst v63  }
0xdb: {  	s10 =	sld [smem:$0x7BF]  }
0xdc: {  	s11 =	sld [smem:$0x7C0]  }
0xdd: {  	[tilespmem:s9], [sflag:$0x1] =	stream.indirect.gather [hbm4b:s3+s6], $0x1, s1, s6, $0xb8;
	[tilespmem:$0x4000] =	vst v63  }
0xde: {  	s1 =	sld [smem:$0x7C1]  }
0xdf: {  	s9 =	sld [smem:$0x7C2]  }
0xe0: {  	[tilespmem:s11], [sflag:$0x1] =	stream.indirect.gather [hbm4b:s3+s6], $0x1, s10, s6, $0xb8;
	[tilespmem:$0x4000] =	vst v63  }
0xe1: {  	s10 =	sld [smem:$0x7C3]  }
0xe2: {  	s11 =	sld [smem:$0x7C4]  }
0xe3: {  	[tilespmem:s9], [sflag:$0x1] =	stream.indirect.gather [hbm4b:s3+s6], $0x1, s1, s6, $0xb8;
	[tilespmem:$0x4000] =	vst v63  }
0xe4: {  	s1 =	sld [smem:$0x7C5]  }
0xe5: {  	s9 =	sld [smem:$0x7C6]  }
0xe6: {  	[tilespmem:s11], [sflag:$0x1] =	stream.indirect.gather [hbm4b:s3+s6], $0x1, s10, s6, $0xb8;
	[tilespmem:$0x4000] =	vst v63  }
0xe7: {  	s10 =	sld [smem:$0x7C7]  }
0xe8: {  	s11 =	sld [smem:$0x7C8]  }
0xe9: {  	[tilespmem:s9], [sflag:$0x1] =	stream.indirect.gather [hbm4b:s3+s6], $0x1, s1, s6, $0xb8;
	[tilespmem:$0x4000] =	vst v63  }
0xea: {  	s1 =	sld [smem:$0x7C9]  }
0xeb: {  	s9 =	sld [smem:$0x7CA]  }
0xec: {  	[tilespmem:s11], [sflag:$0x1] =	stream.indirect.gather [hbm4b:s3+s6], $0x1, s10, s6, $0xb8;
	[tilespmem:$0x4000] =	vst v63  }
0xed: {  	s10 =	sld [smem:$0x7CB]  }
0xee: {  	s11 =	sld [smem:$0x7CC]  }
0xef: {  	[tilespmem:s9], [sflag:$0x1] =	stream.indirect.gather [hbm4b:s3+s6], $0x1, s1, s6, $0xb8;
	[tilespmem:$0x4000] =	vst v63  }
0xf0: {  	s1 =	sld [smem:$0x7CD]  }
0xf1: {  	s9 =	sld [smem:$0x7CE]  }
0xf2: {  	[tilespmem:s11], [sflag:$0x1] =	stream.indirect.gather [hbm4b:s3+s6], $0x1, s10, s6, $0xb8;
	[tilespmem:$0x4000] =	vst v63  }
0xf3: {  	s10 =	sld [smem:$0x7CF]  }
0xf4: {  	s11 =	sld [smem:$0x7D0]  }
0xf5: {  	[tilespmem:s9], [sflag:$0x1] =	stream.indirect.gather [hbm4b:s3+s6], $0x1, s1, s6, $0xb8;
	[tilespmem:$0x4000] =	vst v63  }
0xf6: {  	s1 =	sld [smem:$0x7D1]  }
0xf7: {  	s9 =	sld [smem:$0x7D2]  }
0xf8: {  	[tilespmem:s11], [sflag:$0x1] =	stream.indirect.gather [hbm4b:s3+s6], $0x1, s10, s6, $0xb8;
	[tilespmem:$0x4000] =	vst v63  }
0xf9: {  	s10 =	sld [smem:$0x7D3]  }
0xfa: {  	s11 =	sld [smem:$0x7D4]  }
0xfb: {  	[tilespmem:s9], [sflag:$0x1] =	stream.indirect.gather [hbm4b:s3+s6], $0x1, s1, s6, $0xb8;
	[tilespmem:$0x4000] =	vst v63  }
0xfc: {  	_ = 	snop  }
0xfd: {  	[tilespmem:s11], [sflag:$0x1] =	stream.indirect.gather [hbm4b:s3+s6], $0x1, s10, s6, $0xb8;
	[tilespmem:$0x4000] =	vst v63  }
0xfe: {  	_ =	swait.ge [sflag:s8], $0x80  }
0xff: {  	[sflag:s8] =	ssyncset.done $0x0  }
0x100: {  	[sflag:s8] =	ssyncadd.s32 $0xFFFFFF80  }
0x101: {  	_ =	swait.ge [sflag:s8], $0x80  }
0x102: {  	[sflag:s8] =	ssyncset.done $0x0  }
0x103: {  	[sflag:s8] =	ssyncadd.s32 $0xFFFFFF80  }
0x104: {  	_ =	swait.ge [sflag:s8], $0x80  }
0x105: {  	[sflag:s8] =	ssyncset.done $0x0  }
0x106: {  	[sflag:s8] =	ssyncadd.s32 $0xFFFFFF80  }
0x107: {  	_ =	swait.ge [sflag:s8], $0x80  }
0x108: {  	[sflag:s8] =	ssyncset.done $0x0  }
0x109: {  	[sflag:s8] =	ssyncadd.s32 $0xFFFFFF80  }
0x10a: {  	_ =	swait.ge [sflag:s8], $0x80  }
0x10b: {  	[sflag:s8] =	ssyncset.done $0x0  }
0x10c: {  	[sflag:s8] =	ssyncadd.s32 $0xFFFFFF80  }
0x10d: {  	_ =	swait.ge [sflag:s8], $0x80  }
0x10e: {  	[sflag:s8] =	ssyncset.done $0x0  }
0x10f: {  	[sflag:s8] =	ssyncadd.s32 $0xFFFFFF80  }
0x110: {  	_ =	swait.ge [sflag:s8], $0x80  }
0x111: {  	[sflag:s8] =	ssyncset.done $0x0  }
0x112: {  	[sflag:s8] =	ssyncadd.s32 $0xFFFFFF80  }
0x113: {  	_ =	swait.ge [sflag:s8], $0x80  }
0x114: {  	[sflag:s8] =	ssyncset.done $0x0  }
0x115: {  	[sflag:s8] =	ssyncadd.s32 $0xFFFFFF80  }
0x116: {  	_ =	swait.ge [sflag:s8], $0x80  }
0x117: {  	[sflag:s8] =	ssyncset.done $0x0  }
0x118: {  	[sflag:s8] =	ssyncadd.s32 $0xFFFFFF80  }
0x119: {  	_ =	swait.ge [sflag:s8], $0x80  }
0x11a: {  	[sflag:s8] =	ssyncset.done $0x0  }
0x11b: {  	[sflag:s8] =	ssyncadd.s32 $0xFFFFFF80  }
0x11c: {  	_ =	swait.ge [sflag:s8], $0x80  }
0x11d: {  	[sflag:s8] =	ssyncset.done $0x0  }
0x11e: {  	[sflag:s8] =	ssyncadd.s32 $0xFFFFFF80  }
0x11f: {  	_ =	swait.ge [sflag:s8], $0x80  }
0x120: {  	[sflag:s8] =	ssyncset.done $0x0  }
0x121: {  	[sflag:s8] =	ssyncadd.s32 $0xFFFFFF80  }
0x122: {  	_ =	swait.ge [sflag:s8], $0x80  }
0x123: {  	[sflag:s8] =	ssyncset.done $0x0  }
0x124: {  	[sflag:s8] =	ssyncadd.s32 $0xFFFFFF80  }
0x125: {  	_ =	swait.ge [sflag:s8], $0x80  }
0x126: {  	[sflag:s8] =	ssyncset.done $0x0  }
0x127: {  	[sflag:s8] =	ssyncadd.s32 $0xFFFFFF80  }
0x128: {  	_ =	swait.ge [sflag:s8], $0x80  }
0x129: {  	[sflag:s8] =	ssyncset.done $0x0  }
0x12a: {  	[sflag:s8] =	ssyncadd.s32 $0xFFFFFF80  }
0x12b: {  	_ =	swait.ge [sflag:s8], $0x80  }
0x12c: {  	s1 =	sld [smem:$0x7D5]  }
0x12d: {  	s9 =	sld [smem:$0x7D6]  }
0x12e: {  	[sflag:s8] =	ssyncset.done $0x0;
	s10 =	sld [smem:$0x7D7]  }
0x12f: {  	s11 =	sld [smem:$0x7D8];
	[sflag:s8] =	ssyncadd.s32 $0xFFFFFF80  }
0x130: {  	[tilespmem:s9], [sflag:$0x1] =	stream.indirect.gather [hbm4b:s3+s6], $0x1, s1, s6, $0xb8;
	[tilespmem:$0x4000] =	vst v63  }
0x131: {  	s1 =	sld [smem:$0x7D9]  }
0x132: {  	s9 =	sld [smem:$0x7DA]  }
0x133: {  	[tilespmem:s11], [sflag:$0x1] =	stream.indirect.gather [hbm4b:s3+s6], $0x1, s10, s6, $0xb8;
	[tilespmem:$0x4000] =	vst v63  }
0x134: {  	s10 =	sld [smem:$0x7DB]  }
0x135: {  	s11 =	sld [smem:$0x7DC]  }
0x136: {  	[tilespmem:s9], [sflag:$0x1] =	stream.indirect.gather [hbm4b:s3+s6], $0x1, s1, s6, $0xb8;
	[tilespmem:$0x4000] =	vst v63  }
0x137: {  	s1 =	sld [smem:$0x7DD]  }
0x138: {  	s9 =	sld [smem:$0x7DE]  }
0x139: {  	[tilespmem:s11], [sflag:$0x1] =	stream.indirect.gather [hbm4b:s3+s6], $0x1, s10, s6, $0xb8;
	[tilespmem:$0x4000] =	vst v63  }
0x13a: {  	s10 =	sld [smem:$0x7DF]  }
0x13b: {  	s11 =	sld [smem:$0x7E0]  }
0x13c: {  	[tilespmem:s9], [sflag:$0x1] =	stream.indirect.gather [hbm4b:s3+s6], $0x1, s1, s6, $0xb8;
	[tilespmem:$0x4000] =	vst v63  }
0x13d: {  	s1 =	sld [smem:$0x7E1]  }
0x13e: {  	s9 =	sld [smem:$0x7E2]  }
0x13f: {  	[tilespmem:s11], [sflag:$0x1] =	stream.indirect.gather [hbm4b:s3+s6], $0x1, s10, s6, $0xb8;
	[tilespmem:$0x4000] =	vst v63  }
0x140: {  	s10 =	sld [smem:$0x7E3]  }
0x141: {  	s11 =	sld [smem:$0x7E4]  }
0x142: {  	[tilespmem:s9], [sflag:$0x1] =	stream.indirect.gather [hbm4b:s3+s6], $0x1, s1, s6, $0xb8;
	[tilespmem:$0x4000] =	vst v63  }
0x143: {  	s1 =	sld [smem:$0x7E5]  }
0x144: {  	s9 =	sld [smem:$0x7E6]  }
0x145: {  	[tilespmem:s11], [sflag:$0x1] =	stream.indirect.gather [hbm4b:s3+s6], $0x1, s10, s6, $0xb8;
	[tilespmem:$0x4000] =	vst v63  }
0x146: {  	s10 =	sld [smem:$0x7E7]  }
0x147: {  	s11 =	sld [smem:$0x7E8]  }
0x148: {  	[tilespmem:s9], [sflag:$0x1] =	stream.indirect.gather [hbm4b:s3+s6], $0x1, s1, s6, $0xb8;
	[tilespmem:$0x4000] =	vst v63  }
0x149: {  	s1 =	sld [smem:$0x7E9]  }
0x14a: {  	s9 =	sld [smem:$0x7EA]  }
0x14b: {  	[tilespmem:s11], [sflag:$0x1] =	stream.indirect.gather [hbm4b:s3+s6], $0x1, s10, s6, $0xb8;
	[tilespmem:$0x4000] =	vst v63  }
0x14c: {  	s10 =	sld [smem:$0x7EB]  }
0x14d: {  	s11 =	sld [smem:$0x7EC]  }
0x14e: {  	[tilespmem:s9], [sflag:$0x1] =	stream.indirect.gather [hbm4b:s3+s6], $0x1, s1, s6, $0xb8;
	[tilespmem:$0x4000] =	vst v63  }
0x14f: {  	s1 =	sld [smem:$0x7ED]  }
0x150: {  	s9 =	sld [smem:$0x7EE]  }
0x151: {  	[tilespmem:s11], [sflag:$0x1] =	stream.indirect.gather [hbm4b:s3+s6], $0x1, s10, s6, $0xb8;
	[tilespmem:$0x4000] =	vst v63  }
0x152: {  	s10 =	sld [smem:$0x7EF]  }
0x153: {  	s11 =	sld [smem:$0x7F0]  }
0x154: {  	[tilespmem:s9], [sflag:$0x1] =	stream.indirect.gather [hbm4b:s3+s6], $0x1, s1, s6, $0xb8;
	[tilespmem:$0x4000] =	vst v63  }
0x155: {  	s1 =	sld [smem:$0x7F1]  }
0x156: {  	s9 =	sld [smem:$0x7F2]  }
0x157: {  	[tilespmem:s11], [sflag:$0x1] =	stream.indirect.gather [hbm4b:s3+s6], $0x1, s10, s6, $0xb8;
	[tilespmem:$0x4000] =	vst v63  }
0x158: {  	s10 =	sld [smem:$0x7F3]  }
0x159: {  	s11 =	sld [smem:$0x7F4]  }
0x15a: {  	[tilespmem:s9], [sflag:$0x1] =	stream.indirect.gather [hbm4b:s3+s6], $0x1, s1, s6, $0xb8;
	[tilespmem:$0x4000] =	vst v63  }
0x15b: {  	_ = 	snop  }
0x15c: {  	[tilespmem:s11], [sflag:$0x1] =	stream.indirect.gather [hbm4b:s3+s6], $0x1, s10, s6, $0xb8;
	[tilespmem:$0x4000] =	vst v63  }
0x15d: {  	_ =	swait.ge [sflag:s8], $0x80  }
0x15e: {  	[sflag:s8] =	ssyncset.done $0x0  }
0x15f: {  	[sflag:s8] =	ssyncadd.s32 $0xFFFFFF80  }
0x160: {  	_ =	swait.ge [sflag:s8], $0x80  }
0x161: {  	[sflag:s8] =	ssyncset.done $0x0  }
0x162: {  	[sflag:s8] =	ssyncadd.s32 $0xFFFFFF80  }
0x163: {  	_ =	swait.ge [sflag:s8], $0x80  }
0x164: {  	[sflag:s8] =	ssyncset.done $0x0  }
0x165: {  	[sflag:s8] =	ssyncadd.s32 $0xFFFFFF80  }
0x166: {  	_ =	swait.ge [sflag:s8], $0x80  }
0x167: {  	[sflag:s8] =	ssyncset.done $0x0  }
0x168: {  	[sflag:s8] =	ssyncadd.s32 $0xFFFFFF80  }
0x169: {  	_ =	swait.ge [sflag:s8], $0x80  }
0x16a: {  	[sflag:s8] =	ssyncset.done $0x0  }
0x16b: {  	[sflag:s8] =	ssyncadd.s32 $0xFFFFFF80  }
0x16c: {  	_ =	swait.ge [sflag:s8], $0x80  }
0x16d: {  	[sflag:s8] =	ssyncset.done $0x0  }
0x16e: {  	[sflag:s8] =	ssyncadd.s32 $0xFFFFFF80  }
0x16f: {  	_ =	swait.ge [sflag:s8], $0x80  }
0x170: {  	[sflag:s8] =	ssyncset.done $0x0  }
0x171: {  	[sflag:s8] =	ssyncadd.s32 $0xFFFFFF80  }
0x172: {  	_ =	swait.ge [sflag:s8], $0x80  }
0x173: {  	[sflag:s8] =	ssyncset.done $0x0  }
0x174: {  	[sflag:s8] =	ssyncadd.s32 $0xFFFFFF80  }
0x175: {  	_ =	swait.ge [sflag:s8], $0x80  }
0x176: {  	[sflag:s8] =	ssyncset.done $0x0  }
0x177: {  	[sflag:s8] =	ssyncadd.s32 $0xFFFFFF80  }
0x178: {  	_ =	swait.ge [sflag:s8], $0x80  }
0x179: {  	[sflag:s8] =	ssyncset.done $0x0  }
0x17a: {  	[sflag:s8] =	ssyncadd.s32 $0xFFFFFF80  }
0x17b: {  	_ =	swait.ge [sflag:s8], $0x80  }
0x17c: {  	[sflag:s8] =	ssyncset.done $0x0  }
0x17d: {  	[sflag:s8] =	ssyncadd.s32 $0xFFFFFF80  }
0x17e: {  	_ =	swait.ge [sflag:s8], $0x80  }
0x17f: {  	[sflag:s8] =	ssyncset.done $0x0  }
0x180: {  	[sflag:s8] =	ssyncadd.s32 $0xFFFFFF80  }
0x181: {  	_ =	swait.ge [sflag:s8], $0x80  }
0x182: {  	[sflag:s8] =	ssyncset.done $0x0  }
0x183: {  	[sflag:s8] =	ssyncadd.s32 $0xFFFFFF80  }
0x184: {  	_ =	swait.ge [sflag:s8], $0x80  }
0x185: {  	[sflag:s8] =	ssyncset.done $0x0  }
0x186: {  	[sflag:s8] =	ssyncadd.s32 $0xFFFFFF80  }
0x187: {  	_ =	swait.ge [sflag:s8], $0x80  }
0x188: {  	[sflag:s8] =	ssyncset.done $0x0  }
0x189: {  	[sflag:s8] =	ssyncadd.s32 $0xFFFFFF80  }
0x18a: {  	_ =	swait.ge [sflag:s8], $0x80  }
0x18b: {  	s1 =	sld [smem:$0x7F5]  }
0x18c: {  	s9 =	sld [smem:$0x7F6]  }
0x18d: {  	[sflag:s8] =	ssyncset.done $0x0;
	s10 =	sld [smem:$0x7F7]  }
0x18e: {  	s11 =	sld [smem:$0x7F8];
	[sflag:s8] =	ssyncadd.s32 $0xFFFFFF80  }
0x18f: {  	[tilespmem:s9], [sflag:$0x1] =	stream.indirect.gather [hbm4b:s3+s6], $0x1, s1, s6, $0xb8;
	[tilespmem:$0x4000] =	vst v63  }
0x190: {  	s1 =	sld [smem:$0x7F9]  }
0x191: {  	s9 =	sld [smem:$0x7FA]  }
0x192: {  	[tilespmem:s11], [sflag:$0x1] =	stream.indirect.gather [hbm4b:s3+s6], $0x1, s10, s6, $0xb8;
	[tilespmem:$0x4000] =	vst v63  }
0x193: {  	s10 =	sld [smem:$0x7FB]  }
0x194: {  	s11 =	sld [smem:$0x7FC]  }
0x195: {  	[tilespmem:s9], [sflag:$0x1] =	stream.indirect.gather [hbm4b:s3+s6], $0x1, s1, s6, $0xb8;
	[tilespmem:$0x4000] =	vst v63  }
0x196: {  	s9 =	sld [smem:$0x7FD]  }
0x197: {  	[tilespmem:s11], [sflag:$0x1] =	stream.indirect.gather [hbm4b:s3+s6], $0x1, s10, s6, $0xb8;
	[tilespmem:$0x4000] =	vst v63  }
0x198: {  	s11 =	simm.s32 $0x3A00  }
0x199: {  	[tilespmem:s11], [sflag:$0x1] =	stream.indirect.gather [hbm4b:s3+s6], $0x1, s9, s6, $0xb8;
	[tilespmem:$0x4000] =	vst v63  }
0x19a: {  	s10 =	simm.s32 $0x3A80;
	s9 =	simm.s32 $0x1A80  }
0x19b: {  	[tilespmem:s10], [sflag:$0x1] =	stream.indirect.gather [hbm4b:s3+s6], $0x1, s9, s6, $0xb8;
	[tilespmem:$0x4000] =	vst v63  }
0x19c: {  	_ = 	snop  }
0x19d: {  	[tilespmem:s13], [sflag:$0x1] =	stream.indirect.gather [hbm4b:s3+s6], $0x1, s12, s6, $0xb8;
	[tilespmem:$0x4000] =	vst v63  }
0x19e: {  	_ = 	snop  }
0x19f: {  	[tilespmem:s15], [sflag:$0x1] =	stream.indirect.gather [hbm4b:s3+s6], $0x1, s14, s6, $0xb8;
	[tilespmem:$0x4000] =	vst v63  }
0x1a0: {  	_ = 	snop  }
0x1a1: {  	[tilespmem:s17], [sflag:$0x1] =	stream.indirect.gather [hbm4b:s3+s6], $0x1, s16, s6, $0xb8;
	[tilespmem:$0x4000] =	vst v63  }
0x1a2: {  	_ = 	snop  }
0x1a3: {  	[tilespmem:s19], [sflag:$0x1] =	stream.indirect.gather [hbm4b:s3+s6], $0x1, s18, s6, $0xb8;
	[tilespmem:$0x4000] =	vst v63  }
0x1a4: {  	_ = 	snop  }
0x1a5: {  	[tilespmem:s21], [sflag:$0x1] =	stream.indirect.gather [hbm4b:s3+s6], $0x1, s20, s6, $0xb8;
	[tilespmem:$0x4000] =	vst v63  }
0x1a6: {  	_ = 	snop  }
0x1a7: {  	[tilespmem:s23], [sflag:$0x1] =	stream.indirect.gather [hbm4b:s3+s6], $0x1, s22, s6, $0xb8;
	[tilespmem:$0x4000] =	vst v63  }
0x1a8: {  	_ = 	snop  }
0x1a9: {  	[tilespmem:s25], [sflag:$0x1] =	stream.indirect.gather [hbm4b:s3+s6], $0x1, s24, s6, $0xb8;
	[tilespmem:$0x4000] =	vst v63  }
0x1aa: {  	_ = 	snop  }
0x1ab: {  	[tilespmem:s28], [sflag:$0x1] =	stream.indirect.gather [hbm4b:s3+s6], $0x1, s26, s6, $0xb8;
	[tilespmem:$0x4000] =	vst v63  }
0x1ac: {  	_ = 	snop  }
0x1ad: {  	[tilespmem:s30], [sflag:$0x1] =	stream.indirect.gather [hbm4b:s3+s6], $0x1, s29, s6, $0xb8;
	[tilespmem:$0x4000] =	vst v63  }
0x1ae: {  	_ = 	snop  }
0x1af: {  	[tilespmem:s0], [sflag:$0x1] =	stream.indirect.gather [hbm4b:s3+s6], $0x1, s31, s6, $0xb8;
	[tilespmem:$0x4000] =	vst v63  }
0x1b0: {  	_ =	swait.ge [sflag:s8], $0x80  }
0x1b1: {  	[sflag:s8] =	ssyncset.done $0x0  }
0x1b2: {  	[sflag:s8] =	ssyncadd.s32 $0xFFFFFF80  }
0x1b3: {  	_ =	swait.ge [sflag:s8], $0x80  }
0x1b4: {  	[sflag:s8] =	ssyncset.done $0x0  }
0x1b5: {  	[sflag:s8] =	ssyncadd.s32 $0xFFFFFF80  }
0x1b6: {  	_ =	swait.ge [sflag:s8], $0x80  }
0x1b7: {  	[sflag:s8] =	ssyncset.done $0x0  }
0x1b8: {  	[sflag:s8] =	ssyncadd.s32 $0xFFFFFF80  }
0x1b9: {  	_ =	swait.ge [sflag:s8], $0x80  }
0x1ba: {  	[sflag:s8] =	ssyncset.done $0x0  }
0x1bb: {  	[sflag:s8] =	ssyncadd.s32 $0xFFFFFF80  }
0x1bc: {  	_ =	swait.ge [sflag:s8], $0x80  }
0x1bd: {  	[sflag:s8] =	ssyncset.done $0x0  }
0x1be: {  	[sflag:s8] =	ssyncadd.s32 $0xFFFFFF80  }
0x1bf: {  	_ =	swait.ge [sflag:s8], $0x80  }
0x1c0: {  	[sflag:s8] =	ssyncset.done $0x0  }
0x1c1: {  	[sflag:s8] =	ssyncadd.s32 $0xFFFFFF80  }
0x1c2: {  	_ =	swait.ge [sflag:s8], $0x80  }
0x1c3: {  	[sflag:s8] =	ssyncset.done $0x0  }
0x1c4: {  	[sflag:s8] =	ssyncadd.s32 $0xFFFFFF80  }
0x1c5: {  	_ =	swait.ge [sflag:s8], $0x80  }
0x1c6: {  	[sflag:s8] =	ssyncset.done $0x0  }
0x1c7: {  	[sflag:s8] =	ssyncadd.s32 $0xFFFFFF80  }
0x1c8: {  	_ =	swait.ge [sflag:s8], $0x80  }
0x1c9: {  	[sflag:s8] =	ssyncset.done $0x0  }
0x1ca: {  	[sflag:s8] =	ssyncadd.s32 $0xFFFFFF80  }
0x1cb: {  	_ =	swait.ge [sflag:s8], $0x80  }
0x1cc: {  	[sflag:s8] =	ssyncset.done $0x0  }
0x1cd: {  	[sflag:s8] =	ssyncadd.s32 $0xFFFFFF80  }
0x1ce: {  	_ =	swait.ge [sflag:s8], $0x80  }
0x1cf: {  	[sflag:s8] =	ssyncset.done $0x0  }
0x1d0: {  	[sflag:s8] =	ssyncadd.s32 $0xFFFFFF80  }
0x1d1: {  	_ =	swait.ge [sflag:s8], $0x80  }
0x1d2: {  	[sflag:s8] =	ssyncset.done $0x0  }
0x1d3: {  	[sflag:s8] =	ssyncadd.s32 $0xFFFFFF80  }
0x1d4: {  	_ =	swait.ge [sflag:s8], $0x80  }
0x1d5: {  	[sflag:s8] =	ssyncset.done $0x0  }
0x1d6: {  	[sflag:s8] =	ssyncadd.s32 $0xFFFFFF80  }
0x1d7: {  	_ =	swait.ge [sflag:s8], $0x80  }
0x1d8: {  	[sflag:s8] =	ssyncset.done $0x0  }
0x1d9: {  	[sflag:s8] =	ssyncadd.s32 $0xFFFFFF80  }
0x1da: {  	_ =	swait.ge [sflag:s8], $0x80  }
0x1db: {  	[sflag:s8] =	ssyncset.done $0x0  }
0x1dc: {  	[sflag:s8] =	ssyncadd.s32 $0xFFFFFF80  }
0x1dd: {  	_ =	swait.ge [sflag:s8], $0x80  }
0x1de: {  	p0 =	sne.s32 s4, $0x1;
	[sflag:s8] =	ssyncset.done $0x0  }
.Ltmp0:
0x1df: {  	s11 =	rddreg [dreg:$0x4];
	[sflag:s8] =	ssyncadd.s32 $0xFFFFFF80;
	(pc) =	sbr.rel @p0 .LBB2_1-.Ltmp0, $4  }
0x1e0: {  	[hbm4b:s11+s2] =	stream.linear.scatter [tilespmem:s7], [sflag:$0x2], $0x2000, $0x38;
	[tilespmem:$0x4000] =	vst v63  }
0x1e1: {  	_ =	swait.ge [sflag:s5], $0x2000  }
0x1e2: {  	[sflag:s5] =	ssyncset.done $0x0  }
0x1e3: {  	s4 =	sadd.s32 $0xFFFFFFFF, s4;
	[sflag:s5] =	ssyncadd.s32 $0xFFFFE000  }
0x1e4: {  	_ =	sfence.sel $0x180000  }
0x1e5: {  	[bflag:$0x0] =	sbarrier.arrive $0xFFFF  }
0x1e6: {  	_ =	strace $0x90000047  }
0x1e7: {  	s0 =	stileid.u32;
	[bflag:$0x2] =	sbarrier.arrive $0xFFFF  }
0x1e8: {  	p0 =	sne.s32 s0, $0x0;
	s0 =	rddreg [dreg:$0x2]  }
0x1e9: {  	s0 =	sadd.s32 @!p0 $0x100000, s0  }
0x1ea: {  	[sflag:s0] =	ssyncadd.tile.s32 @!p0 $0x1;
	_ =	shalt  }
.Lfunc_end2:
_tile_overlayer_lowered:
.L_overlay_start_2:
0x1eb: {  	(tag) =	ssettag $0x2  }
0x1ec: {  	s0 =	rddreg [dreg:$0x0];
	s2 =	stileid.u32  }
0x1ed: {  	s1 =	rddreg [dreg:$0x1];
	p0 =	sne.s32 s2, $0x0  }
0x1ee: {  	s3 =	rddreg [dreg:$0x2];
	[bflag:$0x3] =	sbarrier.arrive $0xFFFF;
	s2 =	simm.s32 @!p0 $0x1C02  }
0x1ef: {  	[timem:s3], [sflag:s2] =	dma.local @!p0 [hbm:s0], s1  }
0x1f0: {  	s0 =	simm.s32 @!p0 $0x2  }
0x1f1: {  	_ =	swait.ge @!p0 [sflag:s0], s1  }
0x1f2: {  	s1 =	ssub.s32 @!p0 $0x0, s1;
	[sflag:s0] =	ssyncset.done @!p0 $0x0  }
0x1f3: {  	[sflag:s0] =	ssyncadd.s32 @!p0 s1  }
0x1f4: {  	[bflag:$0x3] =	sbarrier.arrive $0xFFFF  }
0x1f5: {  	_ =	shalt  }

</sc_bundles>
